<compile_context>
chip_gen: v7x
topology: tpu7x:2x2x1
jax: 0.10.2.dev20260603
libtpu: 0.0.44.dev20260713+nightly
codegen_flags: <defaults>
</compile_context>

<pallas_src>
import functools

import jax
import jax.numpy as jnp
from jax import lax
from jax.experimental import pallas as pl
from jax.experimental.pallas import tpu as pltpu
from jax.experimental.pallas import tpu_sc as plsc

N = 100000
E = 6400000
D = 8
ROW = 16
NC = 2
NS = 16
NW = NC * NS
EPW = E // NW
C = 400
CPW = EPW // C
NBUF = 4
PAIRS = C // 16


def _sqrt16(x):
    xi = plsc.bitcast(x, jnp.int32)
    yi = jnp.int32(0x5F3759DF) - lax.shift_right_logical(xi, 1)
    y = plsc.bitcast(yi, jnp.float32)
    xh = x * jnp.float32(0.5)
    for _ in range(2):
        y = y * (jnp.float32(1.5) - xh * y * y)
    return x * y


_mesh = plsc.VectorSubcoreMesh(core_axis_name="c", subcore_axis_name="s")


@functools.partial(
    pl.kernel,
    mesh=_mesh,
    out_type=jax.ShapeDtypeStruct((NW, 16), jnp.float32),
    scratch_types=[
        [pltpu.VMEM((C,), jnp.int32)] * NBUF,
        [pltpu.VMEM((C,), jnp.int32)] * NBUF,
        [pltpu.VMEM((C,), jnp.float32)] * NBUF,
        [pltpu.VMEM((C, ROW), jnp.float32)] * NBUF,
        [pltpu.VMEM((C, ROW), jnp.float32)] * NBUF,
        pltpu.VMEM((16,), jnp.float32),
        [pltpu.SemaphoreType.DMA] * NBUF,
        [pltpu.SemaphoreType.DMA] * NBUF,
        [pltpu.SemaphoreType.DMA] * NBUF,
    ],
    compiler_params=pltpu.CompilerParams(
        needs_layout_passes=False, use_tc_tiling_on_sc=False),
)
def _lsm_sc(tab_hbm, tabj_hbm, si_hbm, sj_hbm, w_hbm, out_hbm,
            idxi_v, idxj_v, w_v, rowsi_v, rowsj_v, acc_v,
            semlin, semgat, semw):
    wid = lax.axis_index("s") * NC + lax.axis_index("c")
    iota16 = lax.broadcasted_iota(jnp.int32, (16,), 0)
    base0 = wid * EPW

    def lin_start(g, b):
        base = base0 + g * C
        pltpu.async_copy(si_hbm.at[pl.ds(base, C)], idxi_v[b], semlin[b])
        pltpu.async_copy(sj_hbm.at[pl.ds(base, C)], idxj_v[b], semlin[b])

    def lin_wait(b):
        pltpu.make_async_copy(si_hbm.at[pl.ds(0, C)], idxi_v[b], semlin[b]).wait()
        pltpu.make_async_copy(sj_hbm.at[pl.ds(0, C)], idxj_v[b], semlin[b]).wait()

    def gw_start(g, b):
        base = base0 + g * C
        pltpu.async_copy(tab_hbm.at[idxi_v[b]], rowsi_v[b], semgat[b])
        pltpu.async_copy(tabj_hbm.at[idxj_v[b]], rowsj_v[b], semgat[b])
        pltpu.async_copy(w_hbm.at[pl.ds(base, C)], w_v[b], semw[b])

    def gw_wait(b):
        pltpu.make_async_copy(tab_hbm.at[idxi_v[b]], rowsi_v[b], semgat[b]).wait()
        pltpu.make_async_copy(tabj_hbm.at[idxj_v[b]], rowsj_v[b], semgat[b]).wait()
        pltpu.make_async_copy(w_hbm.at[pl.ds(0, C)], w_v[b], semw[b]).wait()

    def compute(b, acc):
        ri, rj, wv = rowsi_v[b], rowsj_v[b], w_v[b]

        def pair_body(k, acc):
            e0 = k * 16
            ridx = e0 + iota16
            s = jnp.zeros((16,), jnp.float32)
            for d in range(D):
                cidx = jnp.full((16,), d, jnp.int32)
                a = plsc.load_gather(ri, [ridx, cidx])
                b_ = plsc.load_gather(rj, [ridx, cidx])
                diff = a - b_
                s = s + diff * diff
            c8 = jnp.full((16,), D, jnp.int32)
            gi = plsc.load_gather(ri, [ridx, c8])
            gj = plsc.load_gather(rj, [ridx, c8])
            r = gi + gj - _sqrt16(s) - wv[pl.ds(e0, 16)]
            return acc + r * r

        return lax.fori_loop(0, PAIRS, pair_body, acc)

    lin_start(0, 0)
    for b in range(1, NBUF - 1):
        lin_start(b, b)
    for b in range(NBUF - 1):
        lin_wait(b)
        gw_start(b, b)
    lin_start(NBUF - 1, NBUF - 1)

    def step(t, acc):
        for b in range(NBUF):
            g = t * NBUF + b
            gw_wait(b)

            @pl.when(g + NBUF - 1 < CPW)
            def _():
                bn = (b + NBUF - 1) % NBUF
                lin_wait(bn)
                gw_start(g + NBUF - 1, bn)

            @pl.when(g + NBUF < CPW)
            def _():
                lin_start(g + NBUF, b)

            acc = compute(b, acc)
        return acc

    acc = lax.fori_loop(0, CPW // NBUF, step, jnp.zeros((16,), jnp.float32))
    acc_v[...] = acc
    pltpu.sync_copy(acc_v, out_hbm.at[wid])


def kernel(latent_z, gamma, sparse_i, sparse_j, sparse_w):
    pad = jnp.zeros((N, ROW - D - 1), jnp.float32)
    tab = jnp.concatenate([latent_z, gamma[:, None], pad], axis=1)
    tabj = jnp.concatenate(
        [latent_z - jnp.float32(1e-6), gamma[:, None], pad], axis=1)
    partials = _lsm_sc(tab, tabj, sparse_i, sparse_j, sparse_w)
    return jnp.sum(partials)

# --- scband reference (transcript-rebuilt; emitter-appended) ---
"""Pipeline reference for scband-lsm-77189152244063 (READ-ONLY COPY).

The authoritative reference and input builder live on the scoring server;
editing this copy changes nothing except your own understanding.
"""

import jax, jax.numpy as jnp
import numpy as np

N = 100000
E = 6400000
D = 8

def setup_inputs(seed: int = 0) -> dict:
    key = jax.random.key(seed)
    k1, k2, k3, k4, k5 = jax.random.split(key, 5)
    latent_z = jax.random.normal(k1, (N, D), dtype=jnp.float32)
    gamma = jax.random.normal(k2, (N,), dtype=jnp.float32)
    sparse_i = jax.random.randint(k3, (E,), 0, N, dtype=jnp.int32)
    sparse_j = jax.random.randint(k4, (E,), 0, N, dtype=jnp.int32)
    sparse_w = jax.random.normal(k5, (E,), dtype=jnp.float32)
    return {"latent_z": latent_z, "gamma": gamma, "sparse_i": sparse_i, "sparse_j": sparse_j, "sparse_w": sparse_w}

def reference(latent_z, gamma, sparse_i, sparse_j, sparse_w):
    # Faithful translation of LSM.square_loss
    zi = jnp.take(latent_z, sparse_i, axis=0)
    zj = jnp.take(latent_z, sparse_j, axis=0)
    z_pdist = jnp.sum((zi - zj + 1e-06) ** 2, axis=-1) ** 0.5
    y_pre = -z_pdist + jnp.take(gamma, sparse_i, axis=0) + jnp.take(gamma, sparse_j, axis=0)
    square_loss_sparse = jnp.sum((y_pre - sparse_w) ** 2)
    return square_loss_sparse

if __name__ == "__main__":
    import jax
    _d = setup_inputs()
    print(jax.jit(kernel)(*tuple(_d.values())))

</pallas_src>

<mosaic_0001>
#map = affine_map<(d0, d1) -> (0, 0)>
#map1 = affine_map<(d0, d1) -> (0)>
module attributes {stable_mosaic.version = 14 : i64} {
  func.func @_lsm_sc(%arg0: i32, %arg1: i32, %arg2: memref<100000x16xf32, #tpu.memory_space<hbm>>, %arg3: memref<100000x16xf32, #tpu.memory_space<hbm>>, %arg4: memref<6400000xi32, #tpu.memory_space<hbm>>, %arg5: memref<6400000xi32, #tpu.memory_space<hbm>>, %arg6: memref<6400000xf32, #tpu.memory_space<hbm>>, %arg7: memref<32x16xf32, #tpu.memory_space<hbm>>, %arg8: memref<400xi32, #tpu.memory_space<vmem>>, %arg9: memref<400xi32, #tpu.memory_space<vmem>>, %arg10: memref<400xi32, #tpu.memory_space<vmem>>, %arg11: memref<400xi32, #tpu.memory_space<vmem>>, %arg12: memref<400xi32, #tpu.memory_space<vmem>>, %arg13: memref<400xi32, #tpu.memory_space<vmem>>, %arg14: memref<400xi32, #tpu.memory_space<vmem>>, %arg15: memref<400xi32, #tpu.memory_space<vmem>>, %arg16: memref<400xf32, #tpu.memory_space<vmem>>, %arg17: memref<400xf32, #tpu.memory_space<vmem>>, %arg18: memref<400xf32, #tpu.memory_space<vmem>>, %arg19: memref<400xf32, #tpu.memory_space<vmem>>, %arg20: memref<400x16xf32, #tpu.memory_space<vmem>>, %arg21: memref<400x16xf32, #tpu.memory_space<vmem>>, %arg22: memref<400x16xf32, #tpu.memory_space<vmem>>, %arg23: memref<400x16xf32, #tpu.memory_space<vmem>>, %arg24: memref<400x16xf32, #tpu.memory_space<vmem>>, %arg25: memref<400x16xf32, #tpu.memory_space<vmem>>, %arg26: memref<400x16xf32, #tpu.memory_space<vmem>>, %arg27: memref<400x16xf32, #tpu.memory_space<vmem>>, %arg28: memref<16xf32, #tpu.memory_space<vmem>>, %arg29: memref<!tpu.dma_semaphore, #tpu.memory_space<semaphore_mem>>, %arg30: memref<!tpu.dma_semaphore, #tpu.memory_space<semaphore_mem>>, %arg31: memref<!tpu.dma_semaphore, #tpu.memory_space<semaphore_mem>>, %arg32: memref<!tpu.dma_semaphore, #tpu.memory_space<semaphore_mem>>, %arg33: memref<!tpu.dma_semaphore, #tpu.memory_space<semaphore_mem>>, %arg34: memref<!tpu.dma_semaphore, #tpu.memory_space<semaphore_mem>>, %arg35: memref<!tpu.dma_semaphore, #tpu.memory_space<semaphore_mem>>, %arg36: memref<!tpu.dma_semaphore, #tpu.memory_space<semaphore_mem>>, %arg37: memref<!tpu.dma_semaphore, #tpu.memory_space<semaphore_mem>>, %arg38: memref<!tpu.dma_semaphore, #tpu.memory_space<semaphore_mem>>, %arg39: memref<!tpu.dma_semaphore, #tpu.memory_space<semaphore_mem>>, %arg40: memref<!tpu.dma_semaphore, #tpu.memory_space<semaphore_mem>>) attributes {dimension_semantics = [#tpu.dimension_semantics<core_parallel>, #tpu.dimension_semantics<subcore_parallel>], iteration_bounds = array<i64: 2, 16>, scalar_prefetch = 0 : i64, scratch_operands = 33 : i64, tpu.core_type = #tpu.core_type<sc_vector_subcore>, window_params = [{transform_indices = #map}, {transform_indices = #map}, {transform_indices = #map1}, {transform_indices = #map1}, {transform_indices = #map1}, {transform_indices = #map}]} {
    %mul3A = arith.constant 2 : i32
    %mul3A_0 = arith.muli %arg1, %mul3A : i32
    %add3A = arith.addi %mul3A_0, %arg0 : i32
    %iota3A = tpu.iota {dimensions = array<i32: 0>} : vector<16xi32>
    %mul3A_1 = arith.constant 200000 : i32
    %mul3A_2 = arith.muli %add3A, %mul3A_1 : i32
    %add3A_3 = arith.constant 0 : i32
    %add3A_4 = arith.addi %mul3A_2, %add3A_3 : i32
    %dma_start3A = tpu.memref_slice %arg4[%add3A_4] : memref<6400000xi32, #tpu.memory_space<hbm>> -> memref<400xi32, #tpu.memory_space<hbm>>
    %dma_start3A_5 = tpu.memref_slice %arg4[%add3A_4] : memref<6400000xi32, #tpu.memory_space<hbm>> -> memref<400xi32, #tpu.memory_space<hbm>>
    tpu.enqueue_dma source(%dma_start3A_5 : memref<400xi32, #tpu.memory_space<hbm>>) target(%arg8 : memref<400xi32, #tpu.memory_space<vmem>>) target_semaphore(%arg29 : memref<!tpu.dma_semaphore, #tpu.memory_space<semaphore_mem>>)
    %dma_start3A_6 = tpu.memref_slice %arg5[%add3A_4] : memref<6400000xi32, #tpu.memory_space<hbm>> -> memref<400xi32, #tpu.memory_space<hbm>>
    %dma_start3A_7 = tpu.memref_slice %arg5[%add3A_4] : memref<6400000xi32, #tpu.memory_space<hbm>> -> memref<400xi32, #tpu.memory_space<hbm>>
    tpu.enqueue_dma source(%dma_start3A_7 : memref<400xi32, #tpu.memory_space<hbm>>) target(%arg12 : memref<400xi32, #tpu.memory_space<vmem>>) target_semaphore(%arg29 : memref<!tpu.dma_semaphore, #tpu.memory_space<semaphore_mem>>)
    %add3A_8 = arith.constant 400 : i32
    %add3A_9 = arith.addi %mul3A_2, %add3A_8 : i32
    %dma_start3A_10 = tpu.memref_slice %arg4[%add3A_9] : memref<6400000xi32, #tpu.memory_space<hbm>> -> memref<400xi32, #tpu.memory_space<hbm>>
    %dma_start3A_11 = tpu.memref_slice %arg4[%add3A_9] : memref<6400000xi32, #tpu.memory_space<hbm>> -> memref<400xi32, #tpu.memory_space<hbm>>
    tpu.enqueue_dma source(%dma_start3A_11 : memref<400xi32, #tpu.memory_space<hbm>>) target(%arg9 : memref<400xi32, #tpu.memory_space<vmem>>) target_semaphore(%arg30 : memref<!tpu.dma_semaphore, #tpu.memory_space<semaphore_mem>>)
    %dma_start3A_12 = tpu.memref_slice %arg5[%add3A_9] : memref<6400000xi32, #tpu.memory_space<hbm>> -> memref<400xi32, #tpu.memory_space<hbm>>
    %dma_start3A_13 = tpu.memref_slice %arg5[%add3A_9] : memref<6400000xi32, #tpu.memory_space<hbm>> -> memref<400xi32, #tpu.memory_space<hbm>>
    tpu.enqueue_dma source(%dma_start3A_13 : memref<400xi32, #tpu.memory_space<hbm>>) target(%arg13 : memref<400xi32, #tpu.memory_space<vmem>>) target_semaphore(%arg30 : memref<!tpu.dma_semaphore, #tpu.memory_space<semaphore_mem>>)
    %add3A_14 = arith.constant 800 : i32
    %add3A_15 = arith.addi %mul3A_2, %add3A_14 : i32
    %dma_start3A_16 = tpu.memref_slice %arg4[%add3A_15] : memref<6400000xi32, #tpu.memory_space<hbm>> -> memref<400xi32, #tpu.memory_space<hbm>>
    %dma_start3A_17 = tpu.memref_slice %arg4[%add3A_15] : memref<6400000xi32, #tpu.memory_space<hbm>> -> memref<400xi32, #tpu.memory_space<hbm>>
    tpu.enqueue_dma source(%dma_start3A_17 : memref<400xi32, #tpu.memory_space<hbm>>) target(%arg10 : memref<400xi32, #tpu.memory_space<vmem>>) target_semaphore(%arg31 : memref<!tpu.dma_semaphore, #tpu.memory_space<semaphore_mem>>)
    %dma_start3A_18 = tpu.memref_slice %arg5[%add3A_15] : memref<6400000xi32, #tpu.memory_space<hbm>> -> memref<400xi32, #tpu.memory_space<hbm>>
    %dma_start3A_19 = tpu.memref_slice %arg5[%add3A_15] : memref<6400000xi32, #tpu.memory_space<hbm>> -> memref<400xi32, #tpu.memory_space<hbm>>
    tpu.enqueue_dma source(%dma_start3A_19 : memref<400xi32, #tpu.memory_space<hbm>>) target(%arg14 : memref<400xi32, #tpu.memory_space<vmem>>) target_semaphore(%arg31 : memref<!tpu.dma_semaphore, #tpu.memory_space<semaphore_mem>>)
    %dma_wait3A = arith.constant 0 : i32
    %dma_wait3A_20 = tpu.memref_slice %arg4[%dma_wait3A] : memref<6400000xi32, #tpu.memory_space<hbm>> -> memref<400xi32, #tpu.memory_space<hbm>>
    %dma_wait3A_21 = arith.constant 0 : i32
    %dma_wait3A_22 = tpu.memref_slice %arg4[%dma_wait3A_21] : memref<6400000xi32, #tpu.memory_space<hbm>> -> memref<400xi32, #tpu.memory_space<hbm>>
    tpu.wait_dma2 semaphore(%arg29 : memref<!tpu.dma_semaphore, #tpu.memory_space<semaphore_mem>>) src(%dma_wait3A_22 : memref<400xi32, #tpu.memory_space<hbm>>) dst(%arg8 : memref<400xi32, #tpu.memory_space<vmem>>)
    %dma_wait3A_23 = arith.constant 0 : i32
    %dma_wait3A_24 = tpu.memref_slice %arg5[%dma_wait3A_23] : memref<6400000xi32, #tpu.memory_space<hbm>> -> memref<400xi32, #tpu.memory_space<hbm>>
    %dma_wait3A_25 = arith.constant 0 : i32
    %dma_wait3A_26 = tpu.memref_slice %arg5[%dma_wait3A_25] : memref<6400000xi32, #tpu.memory_space<hbm>> -> memref<400xi32, #tpu.memory_space<hbm>>
    tpu.wait_dma2 semaphore(%arg29 : memref<!tpu.dma_semaphore, #tpu.memory_space<semaphore_mem>>) src(%dma_wait3A_26 : memref<400xi32, #tpu.memory_space<hbm>>) dst(%arg12 : memref<400xi32, #tpu.memory_space<vmem>>)
    %add3A_27 = arith.constant 0 : i32
    %add3A_28 = arith.addi %mul3A_2, %add3A_27 : i32
    %dma_start3A_29 = arith.constant 0 : i32
    %dma_start3A_30 = arith.constant 0 : i32
    %dma_start3A_31 = tpu.memref_slice %arg2[%dma_start3A_29, %dma_start3A_30] : memref<100000x16xf32, #tpu.memory_space<hbm>> -> memref<100000x16xf32, #tpu.memory_space<hbm>>
    tpu.enqueue_indirect_dma source(%dma_start3A_31 : memref<100000x16xf32, #tpu.memory_space<hbm>>) target(%arg20 : memref<400x16xf32, #tpu.memory_space<vmem>>) offsets(%arg8 : memref<400xi32, #tpu.memory_space<vmem>>) semaphore(%arg33 : memref<!tpu.dma_semaphore, #tpu.memory_space<semaphore_mem>>)
    %dma_start3A_32 = arith.constant 0 : i32
    %dma_start3A_33 = arith.constant 0 : i32
    %dma_start3A_34 = tpu.memref_slice %arg3[%dma_start3A_32, %dma_start3A_33] : memref<100000x16xf32, #tpu.memory_space<hbm>> -> memref<100000x16xf32, #tpu.memory_space<hbm>>
    tpu.enqueue_indirect_dma source(%dma_start3A_34 : memref<100000x16xf32, #tpu.memory_space<hbm>>) target(%arg24 : memref<400x16xf32, #tpu.memory_space<vmem>>) offsets(%arg12 : memref<400xi32, #tpu.memory_space<vmem>>) semaphore(%arg33 : memref<!tpu.dma_semaphore, #tpu.memory_space<semaphore_mem>>)
    %dma_start3A_35 = tpu.memref_slice %arg6[%add3A_28] : memref<6400000xf32, #tpu.memory_space<hbm>> -> memref<400xf32, #tpu.memory_space<hbm>>
    %dma_start3A_36 = tpu.memref_slice %arg6[%add3A_28] : memref<6400000xf32, #tpu.memory_space<hbm>> -> memref<400xf32, #tpu.memory_space<hbm>>
    tpu.enqueue_dma source(%dma_start3A_36 : memref<400xf32, #tpu.memory_space<hbm>>) target(%arg16 : memref<400xf32, #tpu.memory_space<vmem>>) target_semaphore(%arg37 : memref<!tpu.dma_semaphore, #tpu.memory_space<semaphore_mem>>)
    %dma_wait3A_37 = arith.constant 0 : i32
    %dma_wait3A_38 = tpu.memref_slice %arg4[%dma_wait3A_37] : memref<6400000xi32, #tpu.memory_space<hbm>> -> memref<400xi32, #tpu.memory_space<hbm>>
    %dma_wait3A_39 = arith.constant 0 : i32
    %dma_wait3A_40 = tpu.memref_slice %arg4[%dma_wait3A_39] : memref<6400000xi32, #tpu.memory_space<hbm>> -> memref<400xi32, #tpu.memory_space<hbm>>
    tpu.wait_dma2 semaphore(%arg30 : memref<!tpu.dma_semaphore, #tpu.memory_space<semaphore_mem>>) src(%dma_wait3A_40 : memref<400xi32, #tpu.memory_space<hbm>>) dst(%arg9 : memref<400xi32, #tpu.memory_space<vmem>>)
    %dma_wait3A_41 = arith.constant 0 : i32
    %dma_wait3A_42 = tpu.memref_slice %arg5[%dma_wait3A_41] : memref<6400000xi32, #tpu.memory_space<hbm>> -> memref<400xi32, #tpu.memory_space<hbm>>
    %dma_wait3A_43 = arith.constant 0 : i32
    %dma_wait3A_44 = tpu.memref_slice %arg5[%dma_wait3A_43] : memref<6400000xi32, #tpu.memory_space<hbm>> -> memref<400xi32, #tpu.memory_space<hbm>>
    tpu.wait_dma2 semaphore(%arg30 : memref<!tpu.dma_semaphore, #tpu.memory_space<semaphore_mem>>) src(%dma_wait3A_44 : memref<400xi32, #tpu.memory_space<hbm>>) dst(%arg13 : memref<400xi32, #tpu.memory_space<vmem>>)
    %add3A_45 = arith.constant 400 : i32
    %add3A_46 = arith.addi %mul3A_2, %add3A_45 : i32
    %dma_start3A_47 = arith.constant 0 : i32
    %dma_start3A_48 = arith.constant 0 : i32
    %dma_start3A_49 = tpu.memref_slice %arg2[%dma_start3A_47, %dma_start3A_48] : memref<100000x16xf32, #tpu.memory_space<hbm>> -> memref<100000x16xf32, #tpu.memory_space<hbm>>
    tpu.enqueue_indirect_dma source(%dma_start3A_49 : memref<100000x16xf32, #tpu.memory_space<hbm>>) target(%arg21 : memref<400x16xf32, #tpu.memory_space<vmem>>) offsets(%arg9 : memref<400xi32, #tpu.memory_space<vmem>>) semaphore(%arg34 : memref<!tpu.dma_semaphore, #tpu.memory_space<semaphore_mem>>)
    %dma_start3A_50 = arith.constant 0 : i32
    %dma_start3A_51 = arith.constant 0 : i32
    %dma_start3A_52 = tpu.memref_slice %arg3[%dma_start3A_50, %dma_start3A_51] : memref<100000x16xf32, #tpu.memory_space<hbm>> -> memref<100000x16xf32, #tpu.memory_space<hbm>>
    tpu.enqueue_indirect_dma source(%dma_start3A_52 : memref<100000x16xf32, #tpu.memory_space<hbm>>) target(%arg25 : memref<400x16xf32, #tpu.memory_space<vmem>>) offsets(%arg13 : memref<400xi32, #tpu.memory_space<vmem>>) semaphore(%arg34 : memref<!tpu.dma_semaphore, #tpu.memory_space<semaphore_mem>>)
    %dma_start3A_53 = tpu.memref_slice %arg6[%add3A_46] : memref<6400000xf32, #tpu.memory_space<hbm>> -> memref<400xf32, #tpu.memory_space<hbm>>
    %dma_start3A_54 = tpu.memref_slice %arg6[%add3A_46] : memref<6400000xf32, #tpu.memory_space<hbm>> -> memref<400xf32, #tpu.memory_space<hbm>>
    tpu.enqueue_dma source(%dma_start3A_54 : memref<400xf32, #tpu.memory_space<hbm>>) target(%arg17 : memref<400xf32, #tpu.memory_space<vmem>>) target_semaphore(%arg38 : memref<!tpu.dma_semaphore, #tpu.memory_space<semaphore_mem>>)
    %dma_wait3A_55 = arith.constant 0 : i32
    %dma_wait3A_56 = tpu.memref_slice %arg4[%dma_wait3A_55] : memref<6400000xi32, #tpu.memory_space<hbm>> -> memref<400xi32, #tpu.memory_space<hbm>>
    %dma_wait3A_57 = arith.constant 0 : i32
    %dma_wait3A_58 = tpu.memref_slice %arg4[%dma_wait3A_57] : memref<6400000xi32, #tpu.memory_space<hbm>> -> memref<400xi32, #tpu.memory_space<hbm>>
    tpu.wait_dma2 semaphore(%arg31 : memref<!tpu.dma_semaphore, #tpu.memory_space<semaphore_mem>>) src(%dma_wait3A_58 : memref<400xi32, #tpu.memory_space<hbm>>) dst(%arg10 : memref<400xi32, #tpu.memory_space<vmem>>)
    %dma_wait3A_59 = arith.constant 0 : i32
    %dma_wait3A_60 = tpu.memref_slice %arg5[%dma_wait3A_59] : memref<6400000xi32, #tpu.memory_space<hbm>> -> memref<400xi32, #tpu.memory_space<hbm>>
    %dma_wait3A_61 = arith.constant 0 : i32
    %dma_wait3A_62 = tpu.memref_slice %arg5[%dma_wait3A_61] : memref<6400000xi32, #tpu.memory_space<hbm>> -> memref<400xi32, #tpu.memory_space<hbm>>
    tpu.wait_dma2 semaphore(%arg31 : memref<!tpu.dma_semaphore, #tpu.memory_space<semaphore_mem>>) src(%dma_wait3A_62 : memref<400xi32, #tpu.memory_space<hbm>>) dst(%arg14 : memref<400xi32, #tpu.memory_space<vmem>>)
    %add3A_63 = arith.constant 800 : i32
    %add3A_64 = arith.addi %mul3A_2, %add3A_63 : i32
    %dma_start3A_65 = arith.constant 0 : i32
    %dma_start3A_66 = arith.constant 0 : i32
    %dma_start3A_67 = tpu.memref_slice %arg2[%dma_start3A_65, %dma_start3A_66] : memref<100000x16xf32, #tpu.memory_space<hbm>> -> memref<100000x16xf32, #tpu.memory_space<hbm>>
    tpu.enqueue_indirect_dma source(%dma_start3A_67 : memref<100000x16xf32, #tpu.memory_space<hbm>>) target(%arg22 : memref<400x16xf32, #tpu.memory_space<vmem>>) offsets(%arg10 : memref<400xi32, #tpu.memory_space<vmem>>) semaphore(%arg35 : memref<!tpu.dma_semaphore, #tpu.memory_space<semaphore_mem>>)
    %dma_start3A_68 = arith.constant 0 : i32
    %dma_start3A_69 = arith.constant 0 : i32
    %dma_start3A_70 = tpu.memref_slice %arg3[%dma_start3A_68, %dma_start3A_69] : memref<100000x16xf32, #tpu.memory_space<hbm>> -> memref<100000x16xf32, #tpu.memory_space<hbm>>
    tpu.enqueue_indirect_dma source(%dma_start3A_70 : memref<100000x16xf32, #tpu.memory_space<hbm>>) target(%arg26 : memref<400x16xf32, #tpu.memory_space<vmem>>) offsets(%arg14 : memref<400xi32, #tpu.memory_space<vmem>>) semaphore(%arg35 : memref<!tpu.dma_semaphore, #tpu.memory_space<semaphore_mem>>)
    %dma_start3A_71 = tpu.memref_slice %arg6[%add3A_64] : memref<6400000xf32, #tpu.memory_space<hbm>> -> memref<400xf32, #tpu.memory_space<hbm>>
    %dma_start3A_72 = tpu.memref_slice %arg6[%add3A_64] : memref<6400000xf32, #tpu.memory_space<hbm>> -> memref<400xf32, #tpu.memory_space<hbm>>
    tpu.enqueue_dma source(%dma_start3A_72 : memref<400xf32, #tpu.memory_space<hbm>>) target(%arg18 : memref<400xf32, #tpu.memory_space<vmem>>) target_semaphore(%arg39 : memref<!tpu.dma_semaphore, #tpu.memory_space<semaphore_mem>>)
    %add3A_73 = arith.constant 1200 : i32
    %add3A_74 = arith.addi %mul3A_2, %add3A_73 : i32
    %dma_start3A_75 = tpu.memref_slice %arg4[%add3A_74] : memref<6400000xi32, #tpu.memory_space<hbm>> -> memref<400xi32, #tpu.memory_space<hbm>>
    %dma_start3A_76 = tpu.memref_slice %arg4[%add3A_74] : memref<6400000xi32, #tpu.memory_space<hbm>> -> memref<400xi32, #tpu.memory_space<hbm>>
    tpu.enqueue_dma source(%dma_start3A_76 : memref<400xi32, #tpu.memory_space<hbm>>) target(%arg11 : memref<400xi32, #tpu.memory_space<vmem>>) target_semaphore(%arg32 : memref<!tpu.dma_semaphore, #tpu.memory_space<semaphore_mem>>)
    %dma_start3A_77 = tpu.memref_slice %arg5[%add3A_74] : memref<6400000xi32, #tpu.memory_space<hbm>> -> memref<400xi32, #tpu.memory_space<hbm>>
    %dma_start3A_78 = tpu.memref_slice %arg5[%add3A_74] : memref<6400000xi32, #tpu.memory_space<hbm>> -> memref<400xi32, #tpu.memory_space<hbm>>
    tpu.enqueue_dma source(%dma_start3A_78 : memref<400xi32, #tpu.memory_space<hbm>>) target(%arg15 : memref<400xi32, #tpu.memory_space<vmem>>) target_semaphore(%arg32 : memref<!tpu.dma_semaphore, #tpu.memory_space<semaphore_mem>>)
    %broadcast_in_dim3A = arith.constant 0.000000e+00 : f32
    %broadcast_in_dim3A_79 = vector.broadcast %broadcast_in_dim3A : f32 to vector<16xf32>
    %scan3A = arith.constant 0 : i32
    %scan3A_80 = arith.constant 125 : i32
    %scan3A_81 = arith.addi %scan3A, %scan3A_80 : i32
    %scan3A_82 = arith.constant 1 : i32
    %scan3A_83 = scf.for %scan3A_86 = %scan3A to %scan3A_81 step %scan3A_82 iter_args(%scan3A_87 = %broadcast_in_dim3A_79) -> (vector<16xf32>)  : i32 {
      %mul3A_88 = arith.constant 4 : i32
      %mul3A_89 = arith.muli %scan3A_86, %mul3A_88 : i32
      %add3A_90 = arith.constant 0 : i32
      %add3A_91 = arith.addi %mul3A_89, %add3A_90 : i32
      %dma_wait3A_92 = arith.constant 0 : i32
      %dma_wait3A_93 = arith.constant 0 : i32
      %dma_wait3A_94 = tpu.memref_slice %arg2[%dma_wait3A_92, %dma_wait3A_93] : memref<100000x16xf32, #tpu.memory_space<hbm>> -> memref<100000x16xf32, #tpu.memory_space<hbm>>
      tpu.wait_indirect_dma semaphore(%arg33 : memref<!tpu.dma_semaphore, #tpu.memory_space<semaphore_mem>>) src(%dma_wait3A_94 : memref<100000x16xf32, #tpu.memory_space<hbm>>) dst(%arg20 : memref<400x16xf32, #tpu.memory_space<vmem>>)
      %dma_wait3A_95 = arith.constant 0 : i32
      %dma_wait3A_96 = arith.constant 0 : i32
      %dma_wait3A_97 = tpu.memref_slice %arg3[%dma_wait3A_95, %dma_wait3A_96] : memref<100000x16xf32, #tpu.memory_space<hbm>> -> memref<100000x16xf32, #tpu.memory_space<hbm>>
      tpu.wait_indirect_dma semaphore(%arg33 : memref<!tpu.dma_semaphore, #tpu.memory_space<semaphore_mem>>) src(%dma_wait3A_97 : memref<100000x16xf32, #tpu.memory_space<hbm>>) dst(%arg24 : memref<400x16xf32, #tpu.memory_space<vmem>>)
      %dma_wait3A_98 = arith.constant 0 : i32
      %dma_wait3A_99 = tpu.memref_slice %arg6[%dma_wait3A_98] : memref<6400000xf32, #tpu.memory_space<hbm>> -> memref<400xf32, #tpu.memory_space<hbm>>
      %dma_wait3A_100 = arith.constant 0 : i32
      %dma_wait3A_101 = tpu.memref_slice %arg6[%dma_wait3A_100] : memref<6400000xf32, #tpu.memory_space<hbm>> -> memref<400xf32, #tpu.memory_space<hbm>>
      tpu.wait_dma2 semaphore(%arg37 : memref<!tpu.dma_semaphore, #tpu.memory_space<semaphore_mem>>) src(%dma_wait3A_101 : memref<400xf32, #tpu.memory_space<hbm>>) dst(%arg16 : memref<400xf32, #tpu.memory_space<vmem>>)
      %add3A_102 = arith.constant 4 : i32
      %add3A_103 = arith.addi %add3A_91, %add3A_102 : i32
      %sub3A = arith.constant 1 : i32
      %sub3A_104 = arith.subi %add3A_103, %sub3A : i32
      %lt3A = arith.constant 500 : i32
      %lt3A_105 = arith.cmpi slt, %sub3A_104, %lt3A : i32
      %convert_element_type3A = arith.extui %lt3A_105 : i1 to i32
      %cond3A = arith.constant 0 : i32
      %cond3A_106 = arith.cmpi ne, %convert_element_type3A, %cond3A : i32
      scf.if %cond3A_106 {
        %dma_wait3A_228 = arith.constant 0 : i32
        %dma_wait3A_229 = tpu.memref_slice %arg4[%dma_wait3A_228] : memref<6400000xi32, #tpu.memory_space<hbm>> -> memref<400xi32, #tpu.memory_space<hbm>>
        %dma_wait3A_230 = arith.constant 0 : i32
        %dma_wait3A_231 = tpu.memref_slice %arg4[%dma_wait3A_230] : memref<6400000xi32, #tpu.memory_space<hbm>> -> memref<400xi32, #tpu.memory_space<hbm>>
        tpu.wait_dma2 semaphore(%arg32 : memref<!tpu.dma_semaphore, #tpu.memory_space<semaphore_mem>>) src(%dma_wait3A_231 : memref<400xi32, #tpu.memory_space<hbm>>) dst(%arg11 : memref<400xi32, #tpu.memory_space<vmem>>)
        %dma_wait3A_232 = arith.constant 0 : i32
        %dma_wait3A_233 = tpu.memref_slice %arg5[%dma_wait3A_232] : memref<6400000xi32, #tpu.memory_space<hbm>> -> memref<400xi32, #tpu.memory_space<hbm>>
        %dma_wait3A_234 = arith.constant 0 : i32
        %dma_wait3A_235 = tpu.memref_slice %arg5[%dma_wait3A_234] : memref<6400000xi32, #tpu.memory_space<hbm>> -> memref<400xi32, #tpu.memory_space<hbm>>
        tpu.wait_dma2 semaphore(%arg32 : memref<!tpu.dma_semaphore, #tpu.memory_space<semaphore_mem>>) src(%dma_wait3A_235 : memref<400xi32, #tpu.memory_space<hbm>>) dst(%arg15 : memref<400xi32, #tpu.memory_space<vmem>>)
        %add3A_236 = arith.constant 4 : i32
        %add3A_237 = arith.addi %add3A_91, %add3A_236 : i32
        %sub3A_238 = arith.constant 1 : i32
        %sub3A_239 = arith.subi %add3A_237, %sub3A_238 : i32
        %mul3A_240 = arith.constant 400 : i32
        %mul3A_241 = arith.muli %sub3A_239, %mul3A_240 : i32
        %add3A_242 = arith.addi %mul3A_2, %mul3A_241 : i32
        %dma_start3A_243 = arith.constant 0 : i32
        %dma_start3A_244 = arith.constant 0 : i32
        %dma_start3A_245 = tpu.memref_slice %arg2[%dma_start3A_243, %dma_start3A_244] : memref<100000x16xf32, #tpu.memory_space<hbm>> -> memref<100000x16xf32, #tpu.memory_space<hbm>>
        tpu.enqueue_indirect_dma source(%dma_start3A_245 : memref<100000x16xf32, #tpu.memory_space<hbm>>) target(%arg23 : memref<400x16xf32, #tpu.memory_space<vmem>>) offsets(%arg11 : memref<400xi32, #tpu.memory_space<vmem>>) semaphore(%arg36 : memref<!tpu.dma_semaphore, #tpu.memory_space<semaphore_mem>>)
        %dma_start3A_246 = arith.constant 0 : i32
        %dma_start3A_247 = arith.constant 0 : i32
        %dma_start3A_248 = tpu.memref_slice %arg3[%dma_start3A_246, %dma_start3A_247] : memref<100000x16xf32, #tpu.memory_space<hbm>> -> memref<100000x16xf32, #tpu.memory_space<hbm>>
        tpu.enqueue_indirect_dma source(%dma_start3A_248 : memref<100000x16xf32, #tpu.memory_space<hbm>>) target(%arg27 : memref<400x16xf32, #tpu.memory_space<vmem>>) offsets(%arg15 : memref<400xi32, #tpu.memory_space<vmem>>) semaphore(%arg36 : memref<!tpu.dma_semaphore, #tpu.memory_space<semaphore_mem>>)
        %dma_start3A_249 = tpu.memref_slice %arg6[%add3A_242] : memref<6400000xf32, #tpu.memory_space<hbm>> -> memref<400xf32, #tpu.memory_space<hbm>>
        %dma_start3A_250 = tpu.memref_slice %arg6[%add3A_242] : memref<6400000xf32, #tpu.memory_space<hbm>> -> memref<400xf32, #tpu.memory_space<hbm>>
        tpu.enqueue_dma source(%dma_start3A_250 : memref<400xf32, #tpu.memory_space<hbm>>) target(%arg19 : memref<400xf32, #tpu.memory_space<vmem>>) target_semaphore(%arg40 : memref<!tpu.dma_semaphore, #tpu.memory_space<semaphore_mem>>)
      } else {
      }
      %add3A_107 = arith.constant 4 : i32
      %add3A_108 = arith.addi %add3A_91, %add3A_107 : i32
      %lt3A_109 = arith.constant 500 : i32
      %lt3A_110 = arith.cmpi slt, %add3A_108, %lt3A_109 : i32
      %convert_element_type3A_111 = arith.extui %lt3A_110 : i1 to i32
      %cond3A_112 = arith.constant 0 : i32
      %cond3A_113 = arith.cmpi ne, %convert_element_type3A_111, %cond3A_112 : i32
      scf.if %cond3A_113 {
        %add3A_228 = arith.constant 4 : i32
        %add3A_229 = arith.addi %add3A_91, %add3A_228 : i32
        %mul3A_230 = arith.constant 400 : i32
        %mul3A_231 = arith.muli %add3A_229, %mul3A_230 : i32
        %add3A_232 = arith.addi %mul3A_2, %mul3A_231 : i32
        %dma_start3A_233 = tpu.memref_slice %arg4[%add3A_232] : memref<6400000xi32, #tpu.memory_space<hbm>> -> memref<400xi32, #tpu.memory_space<hbm>>
        %dma_start3A_234 = tpu.memref_slice %arg4[%add3A_232] : memref<6400000xi32, #tpu.memory_space<hbm>> -> memref<400xi32, #tpu.memory_space<hbm>>
        tpu.enqueue_dma source(%dma_start3A_234 : memref<400xi32, #tpu.memory_space<hbm>>) target(%arg8 : memref<400xi32, #tpu.memory_space<vmem>>) target_semaphore(%arg29 : memref<!tpu.dma_semaphore, #tpu.memory_space<semaphore_mem>>)
        %dma_start3A_235 = tpu.memref_slice %arg5[%add3A_232] : memref<6400000xi32, #tpu.memory_space<hbm>> -> memref<400xi32, #tpu.memory_space<hbm>>
        %dma_start3A_236 = tpu.memref_slice %arg5[%add3A_232] : memref<6400000xi32, #tpu.memory_space<hbm>> -> memref<400xi32, #tpu.memory_space<hbm>>
        tpu.enqueue_dma source(%dma_start3A_236 : memref<400xi32, #tpu.memory_space<hbm>>) target(%arg12 : memref<400xi32, #tpu.memory_space<vmem>>) target_semaphore(%arg29 : memref<!tpu.dma_semaphore, #tpu.memory_space<semaphore_mem>>)
      } else {
      }
      %scan3A_114 = arith.constant 0 : i32
      %scan3A_115 = arith.constant 25 : i32
      %scan3A_116 = arith.addi %scan3A_114, %scan3A_115 : i32
      %scan3A_117 = arith.constant 1 : i32
      %scan3A_118 = scf.for %scan3A_228 = %scan3A_114 to %scan3A_116 step %scan3A_117 iter_args(%scan3A_229 = %scan3A_87) -> (vector<16xf32>)  : i32 {
        %mul3A_230 = arith.constant 16 : i32
        %mul3A_231 = arith.muli %scan3A_228, %mul3A_230 : i32
        %add3A_232 = vector.broadcast %mul3A_231 : i32 to vector<16xi32>
        %add3A_233 = arith.addi %add3A_232, %iota3A : vector<16xi32>
        %broadcast_in_dim3A_234 = arith.constant 0.000000e+00 : f32
        %broadcast_in_dim3A_235 = vector.broadcast %broadcast_in_dim3A_234 : f32 to vector<16xf32>
        %broadcast_in_dim3A_236 = arith.constant 0 : i32
        %broadcast_in_dim3A_237 = vector.broadcast %broadcast_in_dim3A_236 : i32 to vector<16xi32>
        %gather3A = tpu.vector_load_idx %arg20[%add3A_233, %broadcast_in_dim3A_237] : memref<400x16xf32, #tpu.memory_space<vmem>>[vector<16xi32>, vector<16xi32>], vector<16xf32>,
        %gather3A_238 = tpu.vector_load_idx %arg24[%add3A_233, %broadcast_in_dim3A_237] : memref<400x16xf32, #tpu.memory_space<vmem>>[vector<16xi32>, vector<16xi32>], vector<16xf32>,
        %sub3A_239 = arith.subf %gather3A, %gather3A_238 : vector<16xf32>
        %mul3A_240 = arith.mulf %sub3A_239, %sub3A_239 : vector<16xf32>
        %add3A_241 = arith.addf %broadcast_in_dim3A_235, %mul3A_240 : vector<16xf32>
        %broadcast_in_dim3A_242 = arith.constant 1 : i32
        %broadcast_in_dim3A_243 = vector.broadcast %broadcast_in_dim3A_242 : i32 to vector<16xi32>
        %gather3A_244 = tpu.vector_load_idx %arg20[%add3A_233, %broadcast_in_dim3A_243] : memref<400x16xf32, #tpu.memory_space<vmem>>[vector<16xi32>, vector<16xi32>], vector<16xf32>,
        %gather3A_245 = tpu.vector_load_idx %arg24[%add3A_233, %broadcast_in_dim3A_243] : memref<400x16xf32, #tpu.memory_space<vmem>>[vector<16xi32>, vector<16xi32>], vector<16xf32>,
        %sub3A_246 = arith.subf %gather3A_244, %gather3A_245 : vector<16xf32>
        %mul3A_247 = arith.mulf %sub3A_246, %sub3A_246 : vector<16xf32>
        %add3A_248 = arith.addf %add3A_241, %mul3A_247 : vector<16xf32>
        %broadcast_in_dim3A_249 = arith.constant 2 : i32
        %broadcast_in_dim3A_250 = vector.broadcast %broadcast_in_dim3A_249 : i32 to vector<16xi32>
        %gather3A_251 = tpu.vector_load_idx %arg20[%add3A_233, %broadcast_in_dim3A_250] : memref<400x16xf32, #tpu.memory_space<vmem>>[vector<16xi32>, vector<16xi32>], vector<16xf32>,
        %gather3A_252 = tpu.vector_load_idx %arg24[%add3A_233, %broadcast_in_dim3A_250] : memref<400x16xf32, #tpu.memory_space<vmem>>[vector<16xi32>, vector<16xi32>], vector<16xf32>,
        %sub3A_253 = arith.subf %gather3A_251, %gather3A_252 : vector<16xf32>
        %mul3A_254 = arith.mulf %sub3A_253, %sub3A_253 : vector<16xf32>
        %add3A_255 = arith.addf %add3A_248, %mul3A_254 : vector<16xf32>
        %broadcast_in_dim3A_256 = arith.constant 3 : i32
        %broadcast_in_dim3A_257 = vector.broadcast %broadcast_in_dim3A_256 : i32 to vector<16xi32>
        %gather3A_258 = tpu.vector_load_idx %arg20[%add3A_233, %broadcast_in_dim3A_257] : memref<400x16xf32, #tpu.memory_space<vmem>>[vector<16xi32>, vector<16xi32>], vector<16xf32>,
        %gather3A_259 = tpu.vector_load_idx %arg24[%add3A_233, %broadcast_in_dim3A_257] : memref<400x16xf32, #tpu.memory_space<vmem>>[vector<16xi32>, vector<16xi32>], vector<16xf32>,
        %sub3A_260 = arith.subf %gather3A_258, %gather3A_259 : vector<16xf32>
        %mul3A_261 = arith.mulf %sub3A_260, %sub3A_260 : vector<16xf32>
        %add3A_262 = arith.addf %add3A_255, %mul3A_261 : vector<16xf32>
        %broadcast_in_dim3A_263 = arith.constant 4 : i32
        %broadcast_in_dim3A_264 = vector.broadcast %broadcast_in_dim3A_263 : i32 to vector<16xi32>
        %gather3A_265 = tpu.vector_load_idx %arg20[%add3A_233, %broadcast_in_dim3A_264] : memref<400x16xf32, #tpu.memory_space<vmem>>[vector<16xi32>, vector<16xi32>], vector<16xf32>,
        %gather3A_266 = tpu.vector_load_idx %arg24[%add3A_233, %broadcast_in_dim3A_264] : memref<400x16xf32, #tpu.memory_space<vmem>>[vector<16xi32>, vector<16xi32>], vector<16xf32>,
        %sub3A_267 = arith.subf %gather3A_265, %gather3A_266 : vector<16xf32>
        %mul3A_268 = arith.mulf %sub3A_267, %sub3A_267 : vector<16xf32>
        %add3A_269 = arith.addf %add3A_262, %mul3A_268 : vector<16xf32>
        %broadcast_in_dim3A_270 = arith.constant 5 : i32
        %broadcast_in_dim3A_271 = vector.broadcast %broadcast_in_dim3A_270 : i32 to vector<16xi32>
        %gather3A_272 = tpu.vector_load_idx %arg20[%add3A_233, %broadcast_in_dim3A_271] : memref<400x16xf32, #tpu.memory_space<vmem>>[vector<16xi32>, vector<16xi32>], vector<16xf32>,
        %gather3A_273 = tpu.vector_load_idx %arg24[%add3A_233, %broadcast_in_dim3A_271] : memref<400x16xf32, #tpu.memory_space<vmem>>[vector<16xi32>, vector<16xi32>], vector<16xf32>,
        %sub3A_274 = arith.subf %gather3A_272, %gather3A_273 : vector<16xf32>
        %mul3A_275 = arith.mulf %sub3A_274, %sub3A_274 : vector<16xf32>
        %add3A_276 = arith.addf %add3A_269, %mul3A_275 : vector<16xf32>
        %broadcast_in_dim3A_277 = arith.constant 6 : i32
        %broadcast_in_dim3A_278 = vector.broadcast %broadcast_in_dim3A_277 : i32 to vector<16xi32>
        %gather3A_279 = tpu.vector_load_idx %arg20[%add3A_233, %broadcast_in_dim3A_278] : memref<400x16xf32, #tpu.memory_space<vmem>>[vector<16xi32>, vector<16xi32>], vector<16xf32>,
        %gather3A_280 = tpu.vector_load_idx %arg24[%add3A_233, %broadcast_in_dim3A_278] : memref<400x16xf32, #tpu.memory_space<vmem>>[vector<16xi32>, vector<16xi32>], vector<16xf32>,
        %sub3A_281 = arith.subf %gather3A_279, %gather3A_280 : vector<16xf32>
        %mul3A_282 = arith.mulf %sub3A_281, %sub3A_281 : vector<16xf32>
        %add3A_283 = arith.addf %add3A_276, %mul3A_282 : vector<16xf32>
        %broadcast_in_dim3A_284 = arith.constant 7 : i32
        %broadcast_in_dim3A_285 = vector.broadcast %broadcast_in_dim3A_284 : i32 to vector<16xi32>
        %gather3A_286 = tpu.vector_load_idx %arg20[%add3A_233, %broadcast_in_dim3A_285] : memref<400x16xf32, #tpu.memory_space<vmem>>[vector<16xi32>, vector<16xi32>], vector<16xf32>,
        %gather3A_287 = tpu.vector_load_idx %arg24[%add3A_233, %broadcast_in_dim3A_285] : memref<400x16xf32, #tpu.memory_space<vmem>>[vector<16xi32>, vector<16xi32>], vector<16xf32>,
        %sub3A_288 = arith.subf %gather3A_286, %gather3A_287 : vector<16xf32>
        %mul3A_289 = arith.mulf %sub3A_288, %sub3A_288 : vector<16xf32>
        %add3A_290 = arith.addf %add3A_283, %mul3A_289 : vector<16xf32>
        %broadcast_in_dim3A_291 = arith.constant 8 : i32
        %broadcast_in_dim3A_292 = vector.broadcast %broadcast_in_dim3A_291 : i32 to vector<16xi32>
        %gather3A_293 = tpu.vector_load_idx %arg20[%add3A_233, %broadcast_in_dim3A_292] : memref<400x16xf32, #tpu.memory_space<vmem>>[vector<16xi32>, vector<16xi32>], vector<16xf32>,
        %gather3A_294 = tpu.vector_load_idx %arg24[%add3A_233, %broadcast_in_dim3A_292] : memref<400x16xf32, #tpu.memory_space<vmem>>[vector<16xi32>, vector<16xi32>], vector<16xf32>,
        %add3A_295 = arith.addf %gather3A_293, %gather3A_294 : vector<16xf32>
        %bitcast3A = vector.bitcast %add3A_290 : vector<16xf32> to vector<16xi32>
        %shift_right_logical3A = arith.constant 1 : i32
        %shift_right_logical3A_296 = vector.broadcast %shift_right_logical3A : i32 to vector<16xi32>
        %shift_right_logical3A_297 = arith.shrui %bitcast3A, %shift_right_logical3A_296 : vector<16xi32>
        %sub3A_298 = arith.constant 1597463007 : i32
        %sub3A_299 = vector.broadcast %sub3A_298 : i32 to vector<16xi32>
        %sub3A_300 = arith.subi %sub3A_299, %shift_right_logical3A_297 : vector<16xi32>
        %bitcast3A_301 = vector.bitcast %sub3A_300 : vector<16xi32> to vector<16xf32>
        %mul3A_302 = arith.constant 5.000000e-01 : f32
        %mul3A_303 = vector.broadcast %mul3A_302 : f32 to vector<16xf32>
        %mul3A_304 = arith.mulf %add3A_290, %mul3A_303 : vector<16xf32>
        %mul3A_305 = arith.mulf %mul3A_304, %bitcast3A_301 : vector<16xf32>
        %mul3A_306 = arith.mulf %mul3A_305, %bitcast3A_301 : vector<16xf32>
        %sub3A_307 = arith.constant 1.500000e+00 : f32
        %sub3A_308 = vector.broadcast %sub3A_307 : f32 to vector<16xf32>
        %sub3A_309 = arith.subf %sub3A_308, %mul3A_306 : vector<16xf32>
        %mul3A_310 = arith.mulf %bitcast3A_301, %sub3A_309 : vector<16xf32>
        %mul3A_311 = arith.mulf %mul3A_304, %mul3A_310 : vector<16xf32>
        %mul3A_312 = arith.mulf %mul3A_311, %mul3A_310 : vector<16xf32>
        %sub3A_313 = arith.constant 1.500000e+00 : f32
        %sub3A_314 = vector.broadcast %sub3A_313 : f32 to vector<16xf32>
        %sub3A_315 = arith.subf %sub3A_314, %mul3A_312 : vector<16xf32>
        %mul3A_316 = arith.mulf %mul3A_310, %sub3A_315 : vector<16xf32>
        %mul3A_317 = arith.mulf %add3A_290, %mul3A_316 : vector<16xf32>
        %sub3A_318 = arith.subf %add3A_295, %mul3A_317 : vector<16xf32>
        %get3A = arith.index_cast %mul3A_231 : i32 to index
        %get3A_319 = tpu.vector_load %arg16[%get3A] {strides = array<i32>} : memref<400xf32, #tpu.memory_space<vmem>>, vector<16xf32>,
        %sub3A_320 = arith.subf %sub3A_318, %get3A_319 : vector<16xf32>
        %mul3A_321 = arith.mulf %sub3A_320, %sub3A_320 : vector<16xf32>
        %add3A_322 = arith.addf %scan3A_229, %mul3A_321 : vector<16xf32>
        scf.yield %add3A_322 : vector<16xf32>
      }
      %scan3A_119 = arith.constant 25 : i32
      %mul3A_120 = arith.constant 4 : i32
      %mul3A_121 = arith.muli %scan3A_86, %mul3A_120 : i32
      %add3A_122 = arith.constant 1 : i32
      %add3A_123 = arith.addi %mul3A_121, %add3A_122 : i32
      %dma_wait3A_124 = arith.constant 0 : i32
      %dma_wait3A_125 = arith.constant 0 : i32
      %dma_wait3A_126 = tpu.memref_slice %arg2[%dma_wait3A_124, %dma_wait3A_125] : memref<100000x16xf32, #tpu.memory_space<hbm>> -> memref<100000x16xf32, #tpu.memory_space<hbm>>
      tpu.wait_indirect_dma semaphore(%arg34 : memref<!tpu.dma_semaphore, #tpu.memory_space<semaphore_mem>>) src(%dma_wait3A_126 : memref<100000x16xf32, #tpu.memory_space<hbm>>) dst(%arg21 : memref<400x16xf32, #tpu.memory_space<vmem>>)
      %dma_wait3A_127 = arith.constant 0 : i32
      %dma_wait3A_128 = arith.constant 0 : i32
      %dma_wait3A_129 = tpu.memref_slice %arg3[%dma_wait3A_127, %dma_wait3A_128] : memref<100000x16xf32, #tpu.memory_space<hbm>> -> memref<100000x16xf32, #tpu.memory_space<hbm>>
      tpu.wait_indirect_dma semaphore(%arg34 : memref<!tpu.dma_semaphore, #tpu.memory_space<semaphore_mem>>) src(%dma_wait3A_129 : memref<100000x16xf32, #tpu.memory_space<hbm>>) dst(%arg25 : memref<400x16xf32, #tpu.memory_space<vmem>>)
      %dma_wait3A_130 = arith.constant 0 : i32
      %dma_wait3A_131 = tpu.memref_slice %arg6[%dma_wait3A_130] : memref<6400000xf32, #tpu.memory_space<hbm>> -> memref<400xf32, #tpu.memory_space<hbm>>
      %dma_wait3A_132 = arith.constant 0 : i32
      %dma_wait3A_133 = tpu.memref_slice %arg6[%dma_wait3A_132] : memref<6400000xf32, #tpu.memory_space<hbm>> -> memref<400xf32, #tpu.memory_space<hbm>>
      tpu.wait_dma2 semaphore(%arg38 : memref<!tpu.dma_semaphore, #tpu.memory_space<semaphore_mem>>) src(%dma_wait3A_133 : memref<400xf32, #tpu.memory_space<hbm>>) dst(%arg17 : memref<400xf32, #tpu.memory_space<vmem>>)
      %add3A_134 = arith.constant 4 : i32
      %add3A_135 = arith.addi %add3A_123, %add3A_134 : i32
      %sub3A_136 = arith.constant 1 : i32
      %sub3A_137 = arith.subi %add3A_135, %sub3A_136 : i32
      %lt3A_138 = arith.constant 500 : i32
      %lt3A_139 = arith.cmpi slt, %sub3A_137, %lt3A_138 : i32
      %convert_element_type3A_140 = arith.extui %lt3A_139 : i1 to i32
      %cond3A_141 = arith.constant 0 : i32
      %cond3A_142 = arith.cmpi ne, %convert_element_type3A_140, %cond3A_141 : i32
      scf.if %cond3A_142 {
        %dma_wait3A_228 = arith.constant 0 : i32
        %dma_wait3A_229 = tpu.memref_slice %arg4[%dma_wait3A_228] : memref<6400000xi32, #tpu.memory_space<hbm>> -> memref<400xi32, #tpu.memory_space<hbm>>
        %dma_wait3A_230 = arith.constant 0 : i32
        %dma_wait3A_231 = tpu.memref_slice %arg4[%dma_wait3A_230] : memref<6400000xi32, #tpu.memory_space<hbm>> -> memref<400xi32, #tpu.memory_space<hbm>>
        tpu.wait_dma2 semaphore(%arg29 : memref<!tpu.dma_semaphore, #tpu.memory_space<semaphore_mem>>) src(%dma_wait3A_231 : memref<400xi32, #tpu.memory_space<hbm>>) dst(%arg8 : memref<400xi32, #tpu.memory_space<vmem>>)
        %dma_wait3A_232 = arith.constant 0 : i32
        %dma_wait3A_233 = tpu.memref_slice %arg5[%dma_wait3A_232] : memref<6400000xi32, #tpu.memory_space<hbm>> -> memref<400xi32, #tpu.memory_space<hbm>>
        %dma_wait3A_234 = arith.constant 0 : i32
        %dma_wait3A_235 = tpu.memref_slice %arg5[%dma_wait3A_234] : memref<6400000xi32, #tpu.memory_space<hbm>> -> memref<400xi32, #tpu.memory_space<hbm>>
        tpu.wait_dma2 semaphore(%arg29 : memref<!tpu.dma_semaphore, #tpu.memory_space<semaphore_mem>>) src(%dma_wait3A_235 : memref<400xi32, #tpu.memory_space<hbm>>) dst(%arg12 : memref<400xi32, #tpu.memory_space<vmem>>)
        %add3A_236 = arith.constant 4 : i32
        %add3A_237 = arith.addi %add3A_123, %add3A_236 : i32
        %sub3A_238 = arith.constant 1 : i32
        %sub3A_239 = arith.subi %add3A_237, %sub3A_238 : i32
        %mul3A_240 = arith.constant 400 : i32
        %mul3A_241 = arith.muli %sub3A_239, %mul3A_240 : i32
        %add3A_242 = arith.addi %mul3A_2, %mul3A_241 : i32
        %dma_start3A_243 = arith.constant 0 : i32
        %dma_start3A_244 = arith.constant 0 : i32
        %dma_start3A_245 = tpu.memref_slice %arg2[%dma_start3A_243, %dma_start3A_244] : memref<100000x16xf32, #tpu.memory_space<hbm>> -> memref<100000x16xf32, #tpu.memory_space<hbm>>
        tpu.enqueue_indirect_dma source(%dma_start3A_245 : memref<100000x16xf32, #tpu.memory_space<hbm>>) target(%arg20 : memref<400x16xf32, #tpu.memory_space<vmem>>) offsets(%arg8 : memref<400xi32, #tpu.memory_space<vmem>>) semaphore(%arg33 : memref<!tpu.dma_semaphore, #tpu.memory_space<semaphore_mem>>)
        %dma_start3A_246 = arith.constant 0 : i32
        %dma_start3A_247 = arith.constant 0 : i32
        %dma_start3A_248 = tpu.memref_slice %arg3[%dma_start3A_246, %dma_start3A_247] : memref<100000x16xf32, #tpu.memory_space<hbm>> -> memref<100000x16xf32, #tpu.memory_space<hbm>>
        tpu.enqueue_indirect_dma source(%dma_start3A_248 : memref<100000x16xf32, #tpu.memory_space<hbm>>) target(%arg24 : memref<400x16xf32, #tpu.memory_space<vmem>>) offsets(%arg12 : memref<400xi32, #tpu.memory_space<vmem>>) semaphore(%arg33 : memref<!tpu.dma_semaphore, #tpu.memory_space<semaphore_mem>>)
        %dma_start3A_249 = tpu.memref_slice %arg6[%add3A_242] : memref<6400000xf32, #tpu.memory_space<hbm>> -> memref<400xf32, #tpu.memory_space<hbm>>
        %dma_start3A_250 = tpu.memref_slice %arg6[%add3A_242] : memref<6400000xf32, #tpu.memory_space<hbm>> -> memref<400xf32, #tpu.memory_space<hbm>>
        tpu.enqueue_dma source(%dma_start3A_250 : memref<400xf32, #tpu.memory_space<hbm>>) target(%arg16 : memref<400xf32, #tpu.memory_space<vmem>>) target_semaphore(%arg37 : memref<!tpu.dma_semaphore, #tpu.memory_space<semaphore_mem>>)
      } else {
      }
      %add3A_143 = arith.constant 4 : i32
      %add3A_144 = arith.addi %add3A_123, %add3A_143 : i32
      %lt3A_145 = arith.constant 500 : i32
      %lt3A_146 = arith.cmpi slt, %add3A_144, %lt3A_145 : i32
      %convert_element_type3A_147 = arith.extui %lt3A_146 : i1 to i32
      %cond3A_148 = arith.constant 0 : i32
      %cond3A_149 = arith.cmpi ne, %convert_element_type3A_147, %cond3A_148 : i32
      scf.if %cond3A_149 {
        %add3A_228 = arith.constant 4 : i32
        %add3A_229 = arith.addi %add3A_123, %add3A_228 : i32
        %mul3A_230 = arith.constant 400 : i32
        %mul3A_231 = arith.muli %add3A_229, %mul3A_230 : i32
        %add3A_232 = arith.addi %mul3A_2, %mul3A_231 : i32
        %dma_start3A_233 = tpu.memref_slice %arg4[%add3A_232] : memref<6400000xi32, #tpu.memory_space<hbm>> -> memref<400xi32, #tpu.memory_space<hbm>>
        %dma_start3A_234 = tpu.memref_slice %arg4[%add3A_232] : memref<6400000xi32, #tpu.memory_space<hbm>> -> memref<400xi32, #tpu.memory_space<hbm>>
        tpu.enqueue_dma source(%dma_start3A_234 : memref<400xi32, #tpu.memory_space<hbm>>) target(%arg9 : memref<400xi32, #tpu.memory_space<vmem>>) target_semaphore(%arg30 : memref<!tpu.dma_semaphore, #tpu.memory_space<semaphore_mem>>)
        %dma_start3A_235 = tpu.memref_slice %arg5[%add3A_232] : memref<6400000xi32, #tpu.memory_space<hbm>> -> memref<400xi32, #tpu.memory_space<hbm>>
        %dma_start3A_236 = tpu.memref_slice %arg5[%add3A_232] : memref<6400000xi32, #tpu.memory_space<hbm>> -> memref<400xi32, #tpu.memory_space<hbm>>
        tpu.enqueue_dma source(%dma_start3A_236 : memref<400xi32, #tpu.memory_space<hbm>>) target(%arg13 : memref<400xi32, #tpu.memory_space<vmem>>) target_semaphore(%arg30 : memref<!tpu.dma_semaphore, #tpu.memory_space<semaphore_mem>>)
      } else {
      }
      %scan3A_150 = arith.constant 0 : i32
      %scan3A_151 = arith.constant 25 : i32
      %scan3A_152 = arith.addi %scan3A_150, %scan3A_151 : i32
      %scan3A_153 = arith.constant 1 : i32
      %scan3A_154 = scf.for %scan3A_228 = %scan3A_150 to %scan3A_152 step %scan3A_153 iter_args(%scan3A_229 = %scan3A_118) -> (vector<16xf32>)  : i32 {
        %mul3A_230 = arith.constant 16 : i32
        %mul3A_231 = arith.muli %scan3A_228, %mul3A_230 : i32
        %add3A_232 = vector.broadcast %mul3A_231 : i32 to vector<16xi32>
        %add3A_233 = arith.addi %add3A_232, %iota3A : vector<16xi32>
        %broadcast_in_dim3A_234 = arith.constant 0.000000e+00 : f32
        %broadcast_in_dim3A_235 = vector.broadcast %broadcast_in_dim3A_234 : f32 to vector<16xf32>
        %broadcast_in_dim3A_236 = arith.constant 0 : i32
        %broadcast_in_dim3A_237 = vector.broadcast %broadcast_in_dim3A_236 : i32 to vector<16xi32>
        %gather3A = tpu.vector_load_idx %arg21[%add3A_233, %broadcast_in_dim3A_237] : memref<400x16xf32, #tpu.memory_space<vmem>>[vector<16xi32>, vector<16xi32>], vector<16xf32>,
        %gather3A_238 = tpu.vector_load_idx %arg25[%add3A_233, %broadcast_in_dim3A_237] : memref<400x16xf32, #tpu.memory_space<vmem>>[vector<16xi32>, vector<16xi32>], vector<16xf32>,
        %sub3A_239 = arith.subf %gather3A, %gather3A_238 : vector<16xf32>
        %mul3A_240 = arith.mulf %sub3A_239, %sub3A_239 : vector<16xf32>
        %add3A_241 = arith.addf %broadcast_in_dim3A_235, %mul3A_240 : vector<16xf32>
        %broadcast_in_dim3A_242 = arith.constant 1 : i32
        %broadcast_in_dim3A_243 = vector.broadcast %broadcast_in_dim3A_242 : i32 to vector<16xi32>
        %gather3A_244 = tpu.vector_load_idx %arg21[%add3A_233, %broadcast_in_dim3A_243] : memref<400x16xf32, #tpu.memory_space<vmem>>[vector<16xi32>, vector<16xi32>], vector<16xf32>,
        %gather3A_245 = tpu.vector_load_idx %arg25[%add3A_233, %broadcast_in_dim3A_243] : memref<400x16xf32, #tpu.memory_space<vmem>>[vector<16xi32>, vector<16xi32>], vector<16xf32>,
        %sub3A_246 = arith.subf %gather3A_244, %gather3A_245 : vector<16xf32>
        %mul3A_247 = arith.mulf %sub3A_246, %sub3A_246 : vector<16xf32>
        %add3A_248 = arith.addf %add3A_241, %mul3A_247 : vector<16xf32>
        %broadcast_in_dim3A_249 = arith.constant 2 : i32
        %broadcast_in_dim3A_250 = vector.broadcast %broadcast_in_dim3A_249 : i32 to vector<16xi32>
        %gather3A_251 = tpu.vector_load_idx %arg21[%add3A_233, %broadcast_in_dim3A_250] : memref<400x16xf32, #tpu.memory_space<vmem>>[vector<16xi32>, vector<16xi32>], vector<16xf32>,
        %gather3A_252 = tpu.vector_load_idx %arg25[%add3A_233, %broadcast_in_dim3A_250] : memref<400x16xf32, #tpu.memory_space<vmem>>[vector<16xi32>, vector<16xi32>], vector<16xf32>,
        %sub3A_253 = arith.subf %gather3A_251, %gather3A_252 : vector<16xf32>
        %mul3A_254 = arith.mulf %sub3A_253, %sub3A_253 : vector<16xf32>
        %add3A_255 = arith.addf %add3A_248, %mul3A_254 : vector<16xf32>
        %broadcast_in_dim3A_256 = arith.constant 3 : i32
        %broadcast_in_dim3A_257 = vector.broadcast %broadcast_in_dim3A_256 : i32 to vector<16xi32>
        %gather3A_258 = tpu.vector_load_idx %arg21[%add3A_233, %broadcast_in_dim3A_257] : memref<400x16xf32, #tpu.memory_space<vmem>>[vector<16xi32>, vector<16xi32>], vector<16xf32>,
        %gather3A_259 = tpu.vector_load_idx %arg25[%add3A_233, %broadcast_in_dim3A_257] : memref<400x16xf32, #tpu.memory_space<vmem>>[vector<16xi32>, vector<16xi32>], vector<16xf32>,
        %sub3A_260 = arith.subf %gather3A_258, %gather3A_259 : vector<16xf32>
        %mul3A_261 = arith.mulf %sub3A_260, %sub3A_260 : vector<16xf32>
        %add3A_262 = arith.addf %add3A_255, %mul3A_261 : vector<16xf32>
        %broadcast_in_dim3A_263 = arith.constant 4 : i32
        %broadcast_in_dim3A_264 = vector.broadcast %broadcast_in_dim3A_263 : i32 to vector<16xi32>
        %gather3A_265 = tpu.vector_load_idx %arg21[%add3A_233, %broadcast_in_dim3A_264] : memref<400x16xf32, #tpu.memory_space<vmem>>[vector<16xi32>, vector<16xi32>], vector<16xf32>,
        %gather3A_266 = tpu.vector_load_idx %arg25[%add3A_233, %broadcast_in_dim3A_264] : memref<400x16xf32, #tpu.memory_space<vmem>>[vector<16xi32>, vector<16xi32>], vector<16xf32>,
        %sub3A_267 = arith.subf %gather3A_265, %gather3A_266 : vector<16xf32>
        %mul3A_268 = arith.mulf %sub3A_267, %sub3A_267 : vector<16xf32>
        %add3A_269 = arith.addf %add3A_262, %mul3A_268 : vector<16xf32>
        %broadcast_in_dim3A_270 = arith.constant 5 : i32
        %broadcast_in_dim3A_271 = vector.broadcast %broadcast_in_dim3A_270 : i32 to vector<16xi32>
        %gather3A_272 = tpu.vector_load_idx %arg21[%add3A_233, %broadcast_in_dim3A_271] : memref<400x16xf32, #tpu.memory_space<vmem>>[vector<16xi32>, vector<16xi32>], vector<16xf32>,
        %gather3A_273 = tpu.vector_load_idx %arg25[%add3A_233, %broadcast_in_dim3A_271] : memref<400x16xf32, #tpu.memory_space<vmem>>[vector<16xi32>, vector<16xi32>], vector<16xf32>,
        %sub3A_274 = arith.subf %gather3A_272, %gather3A_273 : vector<16xf32>
        %mul3A_275 = arith.mulf %sub3A_274, %sub3A_274 : vector<16xf32>
        %add3A_276 = arith.addf %add3A_269, %mul3A_275 : vector<16xf32>
        %broadcast_in_dim3A_277 = arith.constant 6 : i32
        %broadcast_in_dim3A_278 = vector.broadcast %broadcast_in_dim3A_277 : i32 to vector<16xi32>
        %gather3A_279 = tpu.vector_load_idx %arg21[%add3A_233, %broadcast_in_dim3A_278] : memref<400x16xf32, #tpu.memory_space<vmem>>[vector<16xi32>, vector<16xi32>], vector<16xf32>,
        %gather3A_280 = tpu.vector_load_idx %arg25[%add3A_233, %broadcast_in_dim3A_278] : memref<400x16xf32, #tpu.memory_space<vmem>>[vector<16xi32>, vector<16xi32>], vector<16xf32>,
        %sub3A_281 = arith.subf %gather3A_279, %gather3A_280 : vector<16xf32>
        %mul3A_282 = arith.mulf %sub3A_281, %sub3A_281 : vector<16xf32>
        %add3A_283 = arith.addf %add3A_276, %mul3A_282 : vector<16xf32>
        %broadcast_in_dim3A_284 = arith.constant 7 : i32
        %broadcast_in_dim3A_285 = vector.broadcast %broadcast_in_dim3A_284 : i32 to vector<16xi32>
        %gather3A_286 = tpu.vector_load_idx %arg21[%add3A_233, %broadcast_in_dim3A_285] : memref<400x16xf32, #tpu.memory_space<vmem>>[vector<16xi32>, vector<16xi32>], vector<16xf32>,
        %gather3A_287 = tpu.vector_load_idx %arg25[%add3A_233, %broadcast_in_dim3A_285] : memref<400x16xf32, #tpu.memory_space<vmem>>[vector<16xi32>, vector<16xi32>], vector<16xf32>,
        %sub3A_288 = arith.subf %gather3A_286, %gather3A_287 : vector<16xf32>
        %mul3A_289 = arith.mulf %sub3A_288, %sub3A_288 : vector<16xf32>
        %add3A_290 = arith.addf %add3A_283, %mul3A_289 : vector<16xf32>
        %broadcast_in_dim3A_291 = arith.constant 8 : i32
        %broadcast_in_dim3A_292 = vector.broadcast %broadcast_in_dim3A_291 : i32 to vector<16xi32>
        %gather3A_293 = tpu.vector_load_idx %arg21[%add3A_233, %broadcast_in_dim3A_292] : memref<400x16xf32, #tpu.memory_space<vmem>>[vector<16xi32>, vector<16xi32>], vector<16xf32>,
        %gather3A_294 = tpu.vector_load_idx %arg25[%add3A_233, %broadcast_in_dim3A_292] : memref<400x16xf32, #tpu.memory_space<vmem>>[vector<16xi32>, vector<16xi32>], vector<16xf32>,
        %add3A_295 = arith.addf %gather3A_293, %gather3A_294 : vector<16xf32>
        %bitcast3A = vector.bitcast %add3A_290 : vector<16xf32> to vector<16xi32>
        %shift_right_logical3A = arith.constant 1 : i32
        %shift_right_logical3A_296 = vector.broadcast %shift_right_logical3A : i32 to vector<16xi32>
        %shift_right_logical3A_297 = arith.shrui %bitcast3A, %shift_right_logical3A_296 : vector<16xi32>
        %sub3A_298 = arith.constant 1597463007 : i32
        %sub3A_299 = vector.broadcast %sub3A_298 : i32 to vector<16xi32>
        %sub3A_300 = arith.subi %sub3A_299, %shift_right_logical3A_297 : vector<16xi32>
        %bitcast3A_301 = vector.bitcast %sub3A_300 : vector<16xi32> to vector<16xf32>
        %mul3A_302 = arith.constant 5.000000e-01 : f32
        %mul3A_303 = vector.broadcast %mul3A_302 : f32 to vector<16xf32>
        %mul3A_304 = arith.mulf %add3A_290, %mul3A_303 : vector<16xf32>
        %mul3A_305 = arith.mulf %mul3A_304, %bitcast3A_301 : vector<16xf32>
        %mul3A_306 = arith.mulf %mul3A_305, %bitcast3A_301 : vector<16xf32>
        %sub3A_307 = arith.constant 1.500000e+00 : f32
        %sub3A_308 = vector.broadcast %sub3A_307 : f32 to vector<16xf32>
        %sub3A_309 = arith.subf %sub3A_308, %mul3A_306 : vector<16xf32>
        %mul3A_310 = arith.mulf %bitcast3A_301, %sub3A_309 : vector<16xf32>
        %mul3A_311 = arith.mulf %mul3A_304, %mul3A_310 : vector<16xf32>
        %mul3A_312 = arith.mulf %mul3A_311, %mul3A_310 : vector<16xf32>
        %sub3A_313 = arith.constant 1.500000e+00 : f32
        %sub3A_314 = vector.broadcast %sub3A_313 : f32 to vector<16xf32>
        %sub3A_315 = arith.subf %sub3A_314, %mul3A_312 : vector<16xf32>
        %mul3A_316 = arith.mulf %mul3A_310, %sub3A_315 : vector<16xf32>
        %mul3A_317 = arith.mulf %add3A_290, %mul3A_316 : vector<16xf32>
        %sub3A_318 = arith.subf %add3A_295, %mul3A_317 : vector<16xf32>
        %get3A = arith.index_cast %mul3A_231 : i32 to index
        %get3A_319 = tpu.vector_load %arg17[%get3A] {strides = array<i32>} : memref<400xf32, #tpu.memory_space<vmem>>, vector<16xf32>,
        %sub3A_320 = arith.subf %sub3A_318, %get3A_319 : vector<16xf32>
        %mul3A_321 = arith.mulf %sub3A_320, %sub3A_320 : vector<16xf32>
        %add3A_322 = arith.addf %scan3A_229, %mul3A_321 : vector<16xf32>
        scf.yield %add3A_322 : vector<16xf32>
      }
      %scan3A_155 = arith.constant 25 : i32
      %mul3A_156 = arith.constant 4 : i32
      %mul3A_157 = arith.muli %scan3A_86, %mul3A_156 : i32
      %add3A_158 = arith.constant 2 : i32
      %add3A_159 = arith.addi %mul3A_157, %add3A_158 : i32
      %dma_wait3A_160 = arith.constant 0 : i32
      %dma_wait3A_161 = arith.constant 0 : i32
      %dma_wait3A_162 = tpu.memref_slice %arg2[%dma_wait3A_160, %dma_wait3A_161] : memref<100000x16xf32, #tpu.memory_space<hbm>> -> memref<100000x16xf32, #tpu.memory_space<hbm>>
      tpu.wait_indirect_dma semaphore(%arg35 : memref<!tpu.dma_semaphore, #tpu.memory_space<semaphore_mem>>) src(%dma_wait3A_162 : memref<100000x16xf32, #tpu.memory_space<hbm>>) dst(%arg22 : memref<400x16xf32, #tpu.memory_space<vmem>>)
      %dma_wait3A_163 = arith.constant 0 : i32
      %dma_wait3A_164 = arith.constant 0 : i32
      %dma_wait3A_165 = tpu.memref_slice %arg3[%dma_wait3A_163, %dma_wait3A_164] : memref<100000x16xf32, #tpu.memory_space<hbm>> -> memref<100000x16xf32, #tpu.memory_space<hbm>>
      tpu.wait_indirect_dma semaphore(%arg35 : memref<!tpu.dma_semaphore, #tpu.memory_space<semaphore_mem>>) src(%dma_wait3A_165 : memref<100000x16xf32, #tpu.memory_space<hbm>>) dst(%arg26 : memref<400x16xf32, #tpu.memory_space<vmem>>)
      %dma_wait3A_166 = arith.constant 0 : i32
      %dma_wait3A_167 = tpu.memref_slice %arg6[%dma_wait3A_166] : memref<6400000xf32, #tpu.memory_space<hbm>> -> memref<400xf32, #tpu.memory_space<hbm>>
      %dma_wait3A_168 = arith.constant 0 : i32
      %dma_wait3A_169 = tpu.memref_slice %arg6[%dma_wait3A_168] : memref<6400000xf32, #tpu.memory_space<hbm>> -> memref<400xf32, #tpu.memory_space<hbm>>
      tpu.wait_dma2 semaphore(%arg39 : memref<!tpu.dma_semaphore, #tpu.memory_space<semaphore_mem>>) src(%dma_wait3A_169 : memref<400xf32, #tpu.memory_space<hbm>>) dst(%arg18 : memref<400xf32, #tpu.memory_space<vmem>>)
      %add3A_170 = arith.constant 4 : i32
      %add3A_171 = arith.addi %add3A_159, %add3A_170 : i32
      %sub3A_172 = arith.constant 1 : i32
      %sub3A_173 = arith.subi %add3A_171, %sub3A_172 : i32
      %lt3A_174 = arith.constant 500 : i32
      %lt3A_175 = arith.cmpi slt, %sub3A_173, %lt3A_174 : i32
      %convert_element_type3A_176 = arith.extui %lt3A_175 : i1 to i32
      %cond3A_177 = arith.constant 0 : i32
      %cond3A_178 = arith.cmpi ne, %convert_element_type3A_176, %cond3A_177 : i32
      scf.if %cond3A_178 {
        %dma_wait3A_228 = arith.constant 0 : i32
        %dma_wait3A_229 = tpu.memref_slice %arg4[%dma_wait3A_228] : memref<6400000xi32, #tpu.memory_space<hbm>> -> memref<400xi32, #tpu.memory_space<hbm>>
        %dma_wait3A_230 = arith.constant 0 : i32
        %dma_wait3A_231 = tpu.memref_slice %arg4[%dma_wait3A_230] : memref<6400000xi32, #tpu.memory_space<hbm>> -> memref<400xi32, #tpu.memory_space<hbm>>
        tpu.wait_dma2 semaphore(%arg30 : memref<!tpu.dma_semaphore, #tpu.memory_space<semaphore_mem>>) src(%dma_wait3A_231 : memref<400xi32, #tpu.memory_space<hbm>>) dst(%arg9 : memref<400xi32, #tpu.memory_space<vmem>>)
        %dma_wait3A_232 = arith.constant 0 : i32
        %dma_wait3A_233 = tpu.memref_slice %arg5[%dma_wait3A_232] : memref<6400000xi32, #tpu.memory_space<hbm>> -> memref<400xi32, #tpu.memory_space<hbm>>
        %dma_wait3A_234 = arith.constant 0 : i32
        %dma_wait3A_235 = tpu.memref_slice %arg5[%dma_wait3A_234] : memref<6400000xi32, #tpu.memory_space<hbm>> -> memref<400xi32, #tpu.memory_space<hbm>>
        tpu.wait_dma2 semaphore(%arg30 : memref<!tpu.dma_semaphore, #tpu.memory_space<semaphore_mem>>) src(%dma_wait3A_235 : memref<400xi32, #tpu.memory_space<hbm>>) dst(%arg13 : memref<400xi32, #tpu.memory_space<vmem>>)
        %add3A_236 = arith.constant 4 : i32
        %add3A_237 = arith.addi %add3A_159, %add3A_236 : i32
        %sub3A_238 = arith.constant 1 : i32
        %sub3A_239 = arith.subi %add3A_237, %sub3A_238 : i32
        %mul3A_240 = arith.constant 400 : i32
        %mul3A_241 = arith.muli %sub3A_239, %mul3A_240 : i32
        %add3A_242 = arith.addi %mul3A_2, %mul3A_241 : i32
        %dma_start3A_243 = arith.constant 0 : i32
        %dma_start3A_244 = arith.constant 0 : i32
        %dma_start3A_245 = tpu.memref_slice %arg2[%dma_start3A_243, %dma_start3A_244] : memref<100000x16xf32, #tpu.memory_space<hbm>> -> memref<100000x16xf32, #tpu.memory_space<hbm>>
        tpu.enqueue_indirect_dma source(%dma_start3A_245 : memref<100000x16xf32, #tpu.memory_space<hbm>>) target(%arg21 : memref<400x16xf32, #tpu.memory_space<vmem>>) offsets(%arg9 : memref<400xi32, #tpu.memory_space<vmem>>) semaphore(%arg34 : memref<!tpu.dma_semaphore, #tpu.memory_space<semaphore_mem>>)
        %dma_start3A_246 = arith.constant 0 : i32
        %dma_start3A_247 = arith.constant 0 : i32
        %dma_start3A_248 = tpu.memref_slice %arg3[%dma_start3A_246, %dma_start3A_247] : memref<100000x16xf32, #tpu.memory_space<hbm>> -> memref<100000x16xf32, #tpu.memory_space<hbm>>
        tpu.enqueue_indirect_dma source(%dma_start3A_248 : memref<100000x16xf32, #tpu.memory_space<hbm>>) target(%arg25 : memref<400x16xf32, #tpu.memory_space<vmem>>) offsets(%arg13 : memref<400xi32, #tpu.memory_space<vmem>>) semaphore(%arg34 : memref<!tpu.dma_semaphore, #tpu.memory_space<semaphore_mem>>)
        %dma_start3A_249 = tpu.memref_slice %arg6[%add3A_242] : memref<6400000xf32, #tpu.memory_space<hbm>> -> memref<400xf32, #tpu.memory_space<hbm>>
        %dma_start3A_250 = tpu.memref_slice %arg6[%add3A_242] : memref<6400000xf32, #tpu.memory_space<hbm>> -> memref<400xf32, #tpu.memory_space<hbm>>
        tpu.enqueue_dma source(%dma_start3A_250 : memref<400xf32, #tpu.memory_space<hbm>>) target(%arg17 : memref<400xf32, #tpu.memory_space<vmem>>) target_semaphore(%arg38 : memref<!tpu.dma_semaphore, #tpu.memory_space<semaphore_mem>>)
      } else {
      }
      %add3A_179 = arith.constant 4 : i32
      %add3A_180 = arith.addi %add3A_159, %add3A_179 : i32
      %lt3A_181 = arith.constant 500 : i32
      %lt3A_182 = arith.cmpi slt, %add3A_180, %lt3A_181 : i32
      %convert_element_type3A_183 = arith.extui %lt3A_182 : i1 to i32
      %cond3A_184 = arith.constant 0 : i32
      %cond3A_185 = arith.cmpi ne, %convert_element_type3A_183, %cond3A_184 : i32
      scf.if %cond3A_185 {
        %add3A_228 = arith.constant 4 : i32
        %add3A_229 = arith.addi %add3A_159, %add3A_228 : i32
        %mul3A_230 = arith.constant 400 : i32
        %mul3A_231 = arith.muli %add3A_229, %mul3A_230 : i32
        %add3A_232 = arith.addi %mul3A_2, %mul3A_231 : i32
        %dma_start3A_233 = tpu.memref_slice %arg4[%add3A_232] : memref<6400000xi32, #tpu.memory_space<hbm>> -> memref<400xi32, #tpu.memory_space<hbm>>
        %dma_start3A_234 = tpu.memref_slice %arg4[%add3A_232] : memref<6400000xi32, #tpu.memory_space<hbm>> -> memref<400xi32, #tpu.memory_space<hbm>>
        tpu.enqueue_dma source(%dma_start3A_234 : memref<400xi32, #tpu.memory_space<hbm>>) target(%arg10 : memref<400xi32, #tpu.memory_space<vmem>>) target_semaphore(%arg31 : memref<!tpu.dma_semaphore, #tpu.memory_space<semaphore_mem>>)
        %dma_start3A_235 = tpu.memref_slice %arg5[%add3A_232] : memref<6400000xi32, #tpu.memory_space<hbm>> -> memref<400xi32, #tpu.memory_space<hbm>>
        %dma_start3A_236 = tpu.memref_slice %arg5[%add3A_232] : memref<6400000xi32, #tpu.memory_space<hbm>> -> memref<400xi32, #tpu.memory_space<hbm>>
        tpu.enqueue_dma source(%dma_start3A_236 : memref<400xi32, #tpu.memory_space<hbm>>) target(%arg14 : memref<400xi32, #tpu.memory_space<vmem>>) target_semaphore(%arg31 : memref<!tpu.dma_semaphore, #tpu.memory_space<semaphore_mem>>)
      } else {
      }
      %scan3A_186 = arith.constant 0 : i32
      %scan3A_187 = arith.constant 25 : i32
      %scan3A_188 = arith.addi %scan3A_186, %scan3A_187 : i32
      %scan3A_189 = arith.constant 1 : i32
      %scan3A_190 = scf.for %scan3A_228 = %scan3A_186 to %scan3A_188 step %scan3A_189 iter_args(%scan3A_229 = %scan3A_154) -> (vector<16xf32>)  : i32 {
        %mul3A_230 = arith.constant 16 : i32
        %mul3A_231 = arith.muli %scan3A_228, %mul3A_230 : i32
        %add3A_232 = vector.broadcast %mul3A_231 : i32 to vector<16xi32>
        %add3A_233 = arith.addi %add3A_232, %iota3A : vector<16xi32>
        %broadcast_in_dim3A_234 = arith.constant 0.000000e+00 : f32
        %broadcast_in_dim3A_235 = vector.broadcast %broadcast_in_dim3A_234 : f32 to vector<16xf32>
        %broadcast_in_dim3A_236 = arith.constant 0 : i32
        %broadcast_in_dim3A_237 = vector.broadcast %broadcast_in_dim3A_236 : i32 to vector<16xi32>
        %gather3A = tpu.vector_load_idx %arg22[%add3A_233, %broadcast_in_dim3A_237] : memref<400x16xf32, #tpu.memory_space<vmem>>[vector<16xi32>, vector<16xi32>], vector<16xf32>,
        %gather3A_238 = tpu.vector_load_idx %arg26[%add3A_233, %broadcast_in_dim3A_237] : memref<400x16xf32, #tpu.memory_space<vmem>>[vector<16xi32>, vector<16xi32>], vector<16xf32>,
        %sub3A_239 = arith.subf %gather3A, %gather3A_238 : vector<16xf32>
        %mul3A_240 = arith.mulf %sub3A_239, %sub3A_239 : vector<16xf32>
        %add3A_241 = arith.addf %broadcast_in_dim3A_235, %mul3A_240 : vector<16xf32>
        %broadcast_in_dim3A_242 = arith.constant 1 : i32
        %broadcast_in_dim3A_243 = vector.broadcast %broadcast_in_dim3A_242 : i32 to vector<16xi32>
        %gather3A_244 = tpu.vector_load_idx %arg22[%add3A_233, %broadcast_in_dim3A_243] : memref<400x16xf32, #tpu.memory_space<vmem>>[vector<16xi32>, vector<16xi32>], vector<16xf32>,
        %gather3A_245 = tpu.vector_load_idx %arg26[%add3A_233, %broadcast_in_dim3A_243] : memref<400x16xf32, #tpu.memory_space<vmem>>[vector<16xi32>, vector<16xi32>], vector<16xf32>,
        %sub3A_246 = arith.subf %gather3A_244, %gather3A_245 : vector<16xf32>
        %mul3A_247 = arith.mulf %sub3A_246, %sub3A_246 : vector<16xf32>
        %add3A_248 = arith.addf %add3A_241, %mul3A_247 : vector<16xf32>
        %broadcast_in_dim3A_249 = arith.constant 2 : i32
        %broadcast_in_dim3A_250 = vector.broadcast %broadcast_in_dim3A_249 : i32 to vector<16xi32>
        %gather3A_251 = tpu.vector_load_idx %arg22[%add3A_233, %broadcast_in_dim3A_250] : memref<400x16xf32, #tpu.memory_space<vmem>>[vector<16xi32>, vector<16xi32>], vector<16xf32>,
        %gather3A_252 = tpu.vector_load_idx %arg26[%add3A_233, %broadcast_in_dim3A_250] : memref<400x16xf32, #tpu.memory_space<vmem>>[vector<16xi32>, vector<16xi32>], vector<16xf32>,
        %sub3A_253 = arith.subf %gather3A_251, %gather3A_252 : vector<16xf32>
        %mul3A_254 = arith.mulf %sub3A_253, %sub3A_253 : vector<16xf32>
        %add3A_255 = arith.addf %add3A_248, %mul3A_254 : vector<16xf32>
        %broadcast_in_dim3A_256 = arith.constant 3 : i32
        %broadcast_in_dim3A_257 = vector.broadcast %broadcast_in_dim3A_256 : i32 to vector<16xi32>
        %gather3A_258 = tpu.vector_load_idx %arg22[%add3A_233, %broadcast_in_dim3A_257] : memref<400x16xf32, #tpu.memory_space<vmem>>[vector<16xi32>, vector<16xi32>], vector<16xf32>,
        %gather3A_259 = tpu.vector_load_idx %arg26[%add3A_233, %broadcast_in_dim3A_257] : memref<400x16xf32, #tpu.memory_space<vmem>>[vector<16xi32>, vector<16xi32>], vector<16xf32>,
        %sub3A_260 = arith.subf %gather3A_258, %gather3A_259 : vector<16xf32>
        %mul3A_261 = arith.mulf %sub3A_260, %sub3A_260 : vector<16xf32>
        %add3A_262 = arith.addf %add3A_255, %mul3A_261 : vector<16xf32>
        %broadcast_in_dim3A_263 = arith.constant 4 : i32
        %broadcast_in_dim3A_264 = vector.broadcast %broadcast_in_dim3A_263 : i32 to vector<16xi32>
        %gather3A_265 = tpu.vector_load_idx %arg22[%add3A_233, %broadcast_in_dim3A_264] : memref<400x16xf32, #tpu.memory_space<vmem>>[vector<16xi32>, vector<16xi32>], vector<16xf32>,
        %gather3A_266 = tpu.vector_load_idx %arg26[%add3A_233, %broadcast_in_dim3A_264] : memref<400x16xf32, #tpu.memory_space<vmem>>[vector<16xi32>, vector<16xi32>], vector<16xf32>,
        %sub3A_267 = arith.subf %gather3A_265, %gather3A_266 : vector<16xf32>
        %mul3A_268 = arith.mulf %sub3A_267, %sub3A_267 : vector<16xf32>
        %add3A_269 = arith.addf %add3A_262, %mul3A_268 : vector<16xf32>
        %broadcast_in_dim3A_270 = arith.constant 5 : i32
        %broadcast_in_dim3A_271 = vector.broadcast %broadcast_in_dim3A_270 : i32 to vector<16xi32>
        %gather3A_272 = tpu.vector_load_idx %arg22[%add3A_233, %broadcast_in_dim3A_271] : memref<400x16xf32, #tpu.memory_space<vmem>>[vector<16xi32>, vector<16xi32>], vector<16xf32>,
        %gather3A_273 = tpu.vector_load_idx %arg26[%add3A_233, %broadcast_in_dim3A_271] : memref<400x16xf32, #tpu.memory_space<vmem>>[vector<16xi32>, vector<16xi32>], vector<16xf32>,
        %sub3A_274 = arith.subf %gather3A_272, %gather3A_273 : vector<16xf32>
        %mul3A_275 = arith.mulf %sub3A_274, %sub3A_274 : vector<16xf32>
        %add3A_276 = arith.addf %add3A_269, %mul3A_275 : vector<16xf32>
        %broadcast_in_dim3A_277 = arith.constant 6 : i32
        %broadcast_in_dim3A_278 = vector.broadcast %broadcast_in_dim3A_277 : i32 to vector<16xi32>
        %gather3A_279 = tpu.vector_load_idx %arg22[%add3A_233, %broadcast_in_dim3A_278] : memref<400x16xf32, #tpu.memory_space<vmem>>[vector<16xi32>, vector<16xi32>], vector<16xf32>,
        %gather3A_280 = tpu.vector_load_idx %arg26[%add3A_233, %broadcast_in_dim3A_278] : memref<400x16xf32, #tpu.memory_space<vmem>>[vector<16xi32>, vector<16xi32>], vector<16xf32>,
        %sub3A_281 = arith.subf %gather3A_279, %gather3A_280 : vector<16xf32>
        %mul3A_282 = arith.mulf %sub3A_281, %sub3A_281 : vector<16xf32>
        %add3A_283 = arith.addf %add3A_276, %mul3A_282 : vector<16xf32>
        %broadcast_in_dim3A_284 = arith.constant 7 : i32
        %broadcast_in_dim3A_285 = vector.broadcast %broadcast_in_dim3A_284 : i32 to vector<16xi32>
        %gather3A_286 = tpu.vector_load_idx %arg22[%add3A_233, %broadcast_in_dim3A_285] : memref<400x16xf32, #tpu.memory_space<vmem>>[vector<16xi32>, vector<16xi32>], vector<16xf32>,
        %gather3A_287 = tpu.vector_load_idx %arg26[%add3A_233, %broadcast_in_dim3A_285] : memref<400x16xf32, #tpu.memory_space<vmem>>[vector<16xi32>, vector<16xi32>], vector<16xf32>,
        %sub3A_288 = arith.subf %gather3A_286, %gather3A_287 : vector<16xf32>
        %mul3A_289 = arith.mulf %sub3A_288, %sub3A_288 : vector<16xf32>
        %add3A_290 = arith.addf %add3A_283, %mul3A_289 : vector<16xf32>
        %broadcast_in_dim3A_291 = arith.constant 8 : i32
        %broadcast_in_dim3A_292 = vector.broadcast %broadcast_in_dim3A_291 : i32 to vector<16xi32>
        %gather3A_293 = tpu.vector_load_idx %arg22[%add3A_233, %broadcast_in_dim3A_292] : memref<400x16xf32, #tpu.memory_space<vmem>>[vector<16xi32>, vector<16xi32>], vector<16xf32>,
        %gather3A_294 = tpu.vector_load_idx %arg26[%add3A_233, %broadcast_in_dim3A_292] : memref<400x16xf32, #tpu.memory_space<vmem>>[vector<16xi32>, vector<16xi32>], vector<16xf32>,
        %add3A_295 = arith.addf %gather3A_293, %gather3A_294 : vector<16xf32>
        %bitcast3A = vector.bitcast %add3A_290 : vector<16xf32> to vector<16xi32>
        %shift_right_logical3A = arith.constant 1 : i32
        %shift_right_logical3A_296 = vector.broadcast %shift_right_logical3A : i32 to vector<16xi32>
        %shift_right_logical3A_297 = arith.shrui %bitcast3A, %shift_right_logical3A_296 : vector<16xi32>
        %sub3A_298 = arith.constant 1597463007 : i32
        %sub3A_299 = vector.broadcast %sub3A_298 : i32 to vector<16xi32>
        %sub3A_300 = arith.subi %sub3A_299, %shift_right_logical3A_297 : vector<16xi32>
        %bitcast3A_301 = vector.bitcast %sub3A_300 : vector<16xi32> to vector<16xf32>
        %mul3A_302 = arith.constant 5.000000e-01 : f32
        %mul3A_303 = vector.broadcast %mul3A_302 : f32 to vector<16xf32>
        %mul3A_304 = arith.mulf %add3A_290, %mul3A_303 : vector<16xf32>
        %mul3A_305 = arith.mulf %mul3A_304, %bitcast3A_301 : vector<16xf32>
        %mul3A_306 = arith.mulf %mul3A_305, %bitcast3A_301 : vector<16xf32>
        %sub3A_307 = arith.constant 1.500000e+00 : f32
        %sub3A_308 = vector.broadcast %sub3A_307 : f32 to vector<16xf32>
        %sub3A_309 = arith.subf %sub3A_308, %mul3A_306 : vector<16xf32>
        %mul3A_310 = arith.mulf %bitcast3A_301, %sub3A_309 : vector<16xf32>
        %mul3A_311 = arith.mulf %mul3A_304, %mul3A_310 : vector<16xf32>
        %mul3A_312 = arith.mulf %mul3A_311, %mul3A_310 : vector<16xf32>
        %sub3A_313 = arith.constant 1.500000e+00 : f32
        %sub3A_314 = vector.broadcast %sub3A_313 : f32 to vector<16xf32>
        %sub3A_315 = arith.subf %sub3A_314, %mul3A_312 : vector<16xf32>
        %mul3A_316 = arith.mulf %mul3A_310, %sub3A_315 : vector<16xf32>
        %mul3A_317 = arith.mulf %add3A_290, %mul3A_316 : vector<16xf32>
        %sub3A_318 = arith.subf %add3A_295, %mul3A_317 : vector<16xf32>
        %get3A = arith.index_cast %mul3A_231 : i32 to index
        %get3A_319 = tpu.vector_load %arg18[%get3A] {strides = array<i32>} : memref<400xf32, #tpu.memory_space<vmem>>, vector<16xf32>,
        %sub3A_320 = arith.subf %sub3A_318, %get3A_319 : vector<16xf32>
        %mul3A_321 = arith.mulf %sub3A_320, %sub3A_320 : vector<16xf32>
        %add3A_322 = arith.addf %scan3A_229, %mul3A_321 : vector<16xf32>
        scf.yield %add3A_322 : vector<16xf32>
      }
      %scan3A_191 = arith.constant 25 : i32
      %mul3A_192 = arith.constant 4 : i32
      %mul3A_193 = arith.muli %scan3A_86, %mul3A_192 : i32
      %add3A_194 = arith.constant 3 : i32
      %add3A_195 = arith.addi %mul3A_193, %add3A_194 : i32
      %dma_wait3A_196 = arith.constant 0 : i32
      %dma_wait3A_197 = arith.constant 0 : i32
      %dma_wait3A_198 = tpu.memref_slice %arg2[%dma_wait3A_196, %dma_wait3A_197] : memref<100000x16xf32, #tpu.memory_space<hbm>> -> memref<100000x16xf32, #tpu.memory_space<hbm>>
      tpu.wait_indirect_dma semaphore(%arg36 : memref<!tpu.dma_semaphore, #tpu.memory_space<semaphore_mem>>) src(%dma_wait3A_198 : memref<100000x16xf32, #tpu.memory_space<hbm>>) dst(%arg23 : memref<400x16xf32, #tpu.memory_space<vmem>>)
      %dma_wait3A_199 = arith.constant 0 : i32
      %dma_wait3A_200 = arith.constant 0 : i32
      %dma_wait3A_201 = tpu.memref_slice %arg3[%dma_wait3A_199, %dma_wait3A_200] : memref<100000x16xf32, #tpu.memory_space<hbm>> -> memref<100000x16xf32, #tpu.memory_space<hbm>>
      tpu.wait_indirect_dma semaphore(%arg36 : memref<!tpu.dma_semaphore, #tpu.memory_space<semaphore_mem>>) src(%dma_wait3A_201 : memref<100000x16xf32, #tpu.memory_space<hbm>>) dst(%arg27 : memref<400x16xf32, #tpu.memory_space<vmem>>)
      %dma_wait3A_202 = arith.constant 0 : i32
      %dma_wait3A_203 = tpu.memref_slice %arg6[%dma_wait3A_202] : memref<6400000xf32, #tpu.memory_space<hbm>> -> memref<400xf32, #tpu.memory_space<hbm>>
      %dma_wait3A_204 = arith.constant 0 : i32
      %dma_wait3A_205 = tpu.memref_slice %arg6[%dma_wait3A_204] : memref<6400000xf32, #tpu.memory_space<hbm>> -> memref<400xf32, #tpu.memory_space<hbm>>
      tpu.wait_dma2 semaphore(%arg40 : memref<!tpu.dma_semaphore, #tpu.memory_space<semaphore_mem>>) src(%dma_wait3A_205 : memref<400xf32, #tpu.memory_space<hbm>>) dst(%arg19 : memref<400xf32, #tpu.memory_space<vmem>>)
      %add3A_206 = arith.constant 4 : i32
      %add3A_207 = arith.addi %add3A_195, %add3A_206 : i32
      %sub3A_208 = arith.constant 1 : i32
      %sub3A_209 = arith.subi %add3A_207, %sub3A_208 : i32
      %lt3A_210 = arith.constant 500 : i32
      %lt3A_211 = arith.cmpi slt, %sub3A_209, %lt3A_210 : i32
      %convert_element_type3A_212 = arith.extui %lt3A_211 : i1 to i32
      %cond3A_213 = arith.constant 0 : i32
      %cond3A_214 = arith.cmpi ne, %convert_element_type3A_212, %cond3A_213 : i32
      scf.if %cond3A_214 {
        %dma_wait3A_228 = arith.constant 0 : i32
        %dma_wait3A_229 = tpu.memref_slice %arg4[%dma_wait3A_228] : memref<6400000xi32, #tpu.memory_space<hbm>> -> memref<400xi32, #tpu.memory_space<hbm>>
        %dma_wait3A_230 = arith.constant 0 : i32
        %dma_wait3A_231 = tpu.memref_slice %arg4[%dma_wait3A_230] : memref<6400000xi32, #tpu.memory_space<hbm>> -> memref<400xi32, #tpu.memory_space<hbm>>
        tpu.wait_dma2 semaphore(%arg31 : memref<!tpu.dma_semaphore, #tpu.memory_space<semaphore_mem>>) src(%dma_wait3A_231 : memref<400xi32, #tpu.memory_space<hbm>>) dst(%arg10 : memref<400xi32, #tpu.memory_space<vmem>>)
        %dma_wait3A_232 = arith.constant 0 : i32
        %dma_wait3A_233 = tpu.memref_slice %arg5[%dma_wait3A_232] : memref<6400000xi32, #tpu.memory_space<hbm>> -> memref<400xi32, #tpu.memory_space<hbm>>
        %dma_wait3A_234 = arith.constant 0 : i32
        %dma_wait3A_235 = tpu.memref_slice %arg5[%dma_wait3A_234] : memref<6400000xi32, #tpu.memory_space<hbm>> -> memref<400xi32, #tpu.memory_space<hbm>>
        tpu.wait_dma2 semaphore(%arg31 : memref<!tpu.dma_semaphore, #tpu.memory_space<semaphore_mem>>) src(%dma_wait3A_235 : memref<400xi32, #tpu.memory_space<hbm>>) dst(%arg14 : memref<400xi32, #tpu.memory_space<vmem>>)
        %add3A_236 = arith.constant 4 : i32
        %add3A_237 = arith.addi %add3A_195, %add3A_236 : i32
        %sub3A_238 = arith.constant 1 : i32
        %sub3A_239 = arith.subi %add3A_237, %sub3A_238 : i32
        %mul3A_240 = arith.constant 400 : i32
        %mul3A_241 = arith.muli %sub3A_239, %mul3A_240 : i32
        %add3A_242 = arith.addi %mul3A_2, %mul3A_241 : i32
        %dma_start3A_243 = arith.constant 0 : i32
        %dma_start3A_244 = arith.constant 0 : i32
        %dma_start3A_245 = tpu.memref_slice %arg2[%dma_start3A_243, %dma_start3A_244] : memref<100000x16xf32, #tpu.memory_space<hbm>> -> memref<100000x16xf32, #tpu.memory_space<hbm>>
        tpu.enqueue_indirect_dma source(%dma_start3A_245 : memref<100000x16xf32, #tpu.memory_space<hbm>>) target(%arg22 : memref<400x16xf32, #tpu.memory_space<vmem>>) offsets(%arg10 : memref<400xi32, #tpu.memory_space<vmem>>) semaphore(%arg35 : memref<!tpu.dma_semaphore, #tpu.memory_space<semaphore_mem>>)
        %dma_start3A_246 = arith.constant 0 : i32
        %dma_start3A_247 = arith.constant 0 : i32
        %dma_start3A_248 = tpu.memref_slice %arg3[%dma_start3A_246, %dma_start3A_247] : memref<100000x16xf32, #tpu.memory_space<hbm>> -> memref<100000x16xf32, #tpu.memory_space<hbm>>
        tpu.enqueue_indirect_dma source(%dma_start3A_248 : memref<100000x16xf32, #tpu.memory_space<hbm>>) target(%arg26 : memref<400x16xf32, #tpu.memory_space<vmem>>) offsets(%arg14 : memref<400xi32, #tpu.memory_space<vmem>>) semaphore(%arg35 : memref<!tpu.dma_semaphore, #tpu.memory_space<semaphore_mem>>)
        %dma_start3A_249 = tpu.memref_slice %arg6[%add3A_242] : memref<6400000xf32, #tpu.memory_space<hbm>> -> memref<400xf32, #tpu.memory_space<hbm>>
        %dma_start3A_250 = tpu.memref_slice %arg6[%add3A_242] : memref<6400000xf32, #tpu.memory_space<hbm>> -> memref<400xf32, #tpu.memory_space<hbm>>
        tpu.enqueue_dma source(%dma_start3A_250 : memref<400xf32, #tpu.memory_space<hbm>>) target(%arg18 : memref<400xf32, #tpu.memory_space<vmem>>) target_semaphore(%arg39 : memref<!tpu.dma_semaphore, #tpu.memory_space<semaphore_mem>>)
      } else {
      }
      %add3A_215 = arith.constant 4 : i32
      %add3A_216 = arith.addi %add3A_195, %add3A_215 : i32
      %lt3A_217 = arith.constant 500 : i32
      %lt3A_218 = arith.cmpi slt, %add3A_216, %lt3A_217 : i32
      %convert_element_type3A_219 = arith.extui %lt3A_218 : i1 to i32
      %cond3A_220 = arith.constant 0 : i32
      %cond3A_221 = arith.cmpi ne, %convert_element_type3A_219, %cond3A_220 : i32
      scf.if %cond3A_221 {
        %add3A_228 = arith.constant 4 : i32
        %add3A_229 = arith.addi %add3A_195, %add3A_228 : i32
        %mul3A_230 = arith.constant 400 : i32
        %mul3A_231 = arith.muli %add3A_229, %mul3A_230 : i32
        %add3A_232 = arith.addi %mul3A_2, %mul3A_231 : i32
        %dma_start3A_233 = tpu.memref_slice %arg4[%add3A_232] : memref<6400000xi32, #tpu.memory_space<hbm>> -> memref<400xi32, #tpu.memory_space<hbm>>
        %dma_start3A_234 = tpu.memref_slice %arg4[%add3A_232] : memref<6400000xi32, #tpu.memory_space<hbm>> -> memref<400xi32, #tpu.memory_space<hbm>>
        tpu.enqueue_dma source(%dma_start3A_234 : memref<400xi32, #tpu.memory_space<hbm>>) target(%arg11 : memref<400xi32, #tpu.memory_space<vmem>>) target_semaphore(%arg32 : memref<!tpu.dma_semaphore, #tpu.memory_space<semaphore_mem>>)
        %dma_start3A_235 = tpu.memref_slice %arg5[%add3A_232] : memref<6400000xi32, #tpu.memory_space<hbm>> -> memref<400xi32, #tpu.memory_space<hbm>>
        %dma_start3A_236 = tpu.memref_slice %arg5[%add3A_232] : memref<6400000xi32, #tpu.memory_space<hbm>> -> memref<400xi32, #tpu.memory_space<hbm>>
        tpu.enqueue_dma source(%dma_start3A_236 : memref<400xi32, #tpu.memory_space<hbm>>) target(%arg15 : memref<400xi32, #tpu.memory_space<vmem>>) target_semaphore(%arg32 : memref<!tpu.dma_semaphore, #tpu.memory_space<semaphore_mem>>)
      } else {
      }
      %scan3A_222 = arith.constant 0 : i32
      %scan3A_223 = arith.constant 25 : i32
      %scan3A_224 = arith.addi %scan3A_222, %scan3A_223 : i32
      %scan3A_225 = arith.constant 1 : i32
      %scan3A_226 = scf.for %scan3A_228 = %scan3A_222 to %scan3A_224 step %scan3A_225 iter_args(%scan3A_229 = %scan3A_190) -> (vector<16xf32>)  : i32 {
        %mul3A_230 = arith.constant 16 : i32
        %mul3A_231 = arith.muli %scan3A_228, %mul3A_230 : i32
        %add3A_232 = vector.broadcast %mul3A_231 : i32 to vector<16xi32>
        %add3A_233 = arith.addi %add3A_232, %iota3A : vector<16xi32>
        %broadcast_in_dim3A_234 = arith.constant 0.000000e+00 : f32
        %broadcast_in_dim3A_235 = vector.broadcast %broadcast_in_dim3A_234 : f32 to vector<16xf32>
        %broadcast_in_dim3A_236 = arith.constant 0 : i32
        %broadcast_in_dim3A_237 = vector.broadcast %broadcast_in_dim3A_236 : i32 to vector<16xi32>
        %gather3A = tpu.vector_load_idx %arg23[%add3A_233, %broadcast_in_dim3A_237] : memref<400x16xf32, #tpu.memory_space<vmem>>[vector<16xi32>, vector<16xi32>], vector<16xf32>,
        %gather3A_238 = tpu.vector_load_idx %arg27[%add3A_233, %broadcast_in_dim3A_237] : memref<400x16xf32, #tpu.memory_space<vmem>>[vector<16xi32>, vector<16xi32>], vector<16xf32>,
        %sub3A_239 = arith.subf %gather3A, %gather3A_238 : vector<16xf32>
        %mul3A_240 = arith.mulf %sub3A_239, %sub3A_239 : vector<16xf32>
        %add3A_241 = arith.addf %broadcast_in_dim3A_235, %mul3A_240 : vector<16xf32>
        %broadcast_in_dim3A_242 = arith.constant 1 : i32
        %broadcast_in_dim3A_243 = vector.broadcast %broadcast_in_dim3A_242 : i32 to vector<16xi32>
        %gather3A_244 = tpu.vector_load_idx %arg23[%add3A_233, %broadcast_in_dim3A_243] : memref<400x16xf32, #tpu.memory_space<vmem>>[vector<16xi32>, vector<16xi32>], vector<16xf32>,
        %gather3A_245 = tpu.vector_load_idx %arg27[%add3A_233, %broadcast_in_dim3A_243] : memref<400x16xf32, #tpu.memory_space<vmem>>[vector<16xi32>, vector<16xi32>], vector<16xf32>,
        %sub3A_246 = arith.subf %gather3A_244, %gather3A_245 : vector<16xf32>
        %mul3A_247 = arith.mulf %sub3A_246, %sub3A_246 : vector<16xf32>
        %add3A_248 = arith.addf %add3A_241, %mul3A_247 : vector<16xf32>
        %broadcast_in_dim3A_249 = arith.constant 2 : i32
        %broadcast_in_dim3A_250 = vector.broadcast %broadcast_in_dim3A_249 : i32 to vector<16xi32>
        %gather3A_251 = tpu.vector_load_idx %arg23[%add3A_233, %broadcast_in_dim3A_250] : memref<400x16xf32, #tpu.memory_space<vmem>>[vector<16xi32>, vector<16xi32>], vector<16xf32>,
        %gather3A_252 = tpu.vector_load_idx %arg27[%add3A_233, %broadcast_in_dim3A_250] : memref<400x16xf32, #tpu.memory_space<vmem>>[vector<16xi32>, vector<16xi32>], vector<16xf32>,
        %sub3A_253 = arith.subf %gather3A_251, %gather3A_252 : vector<16xf32>
        %mul3A_254 = arith.mulf %sub3A_253, %sub3A_253 : vector<16xf32>
        %add3A_255 = arith.addf %add3A_248, %mul3A_254 : vector<16xf32>
        %broadcast_in_dim3A_256 = arith.constant 3 : i32
        %broadcast_in_dim3A_257 = vector.broadcast %broadcast_in_dim3A_256 : i32 to vector<16xi32>
        %gather3A_258 = tpu.vector_load_idx %arg23[%add3A_233, %broadcast_in_dim3A_257] : memref<400x16xf32, #tpu.memory_space<vmem>>[vector<16xi32>, vector<16xi32>], vector<16xf32>,
        %gather3A_259 = tpu.vector_load_idx %arg27[%add3A_233, %broadcast_in_dim3A_257] : memref<400x16xf32, #tpu.memory_space<vmem>>[vector<16xi32>, vector<16xi32>], vector<16xf32>,
        %sub3A_260 = arith.subf %gather3A_258, %gather3A_259 : vector<16xf32>
        %mul3A_261 = arith.mulf %sub3A_260, %sub3A_260 : vector<16xf32>
        %add3A_262 = arith.addf %add3A_255, %mul3A_261 : vector<16xf32>
        %broadcast_in_dim3A_263 = arith.constant 4 : i32
        %broadcast_in_dim3A_264 = vector.broadcast %broadcast_in_dim3A_263 : i32 to vector<16xi32>
        %gather3A_265 = tpu.vector_load_idx %arg23[%add3A_233, %broadcast_in_dim3A_264] : memref<400x16xf32, #tpu.memory_space<vmem>>[vector<16xi32>, vector<16xi32>], vector<16xf32>,
        %gather3A_266 = tpu.vector_load_idx %arg27[%add3A_233, %broadcast_in_dim3A_264] : memref<400x16xf32, #tpu.memory_space<vmem>>[vector<16xi32>, vector<16xi32>], vector<16xf32>,
        %sub3A_267 = arith.subf %gather3A_265, %gather3A_266 : vector<16xf32>
        %mul3A_268 = arith.mulf %sub3A_267, %sub3A_267 : vector<16xf32>
        %add3A_269 = arith.addf %add3A_262, %mul3A_268 : vector<16xf32>
        %broadcast_in_dim3A_270 = arith.constant 5 : i32
        %broadcast_in_dim3A_271 = vector.broadcast %broadcast_in_dim3A_270 : i32 to vector<16xi32>
        %gather3A_272 = tpu.vector_load_idx %arg23[%add3A_233, %broadcast_in_dim3A_271] : memref<400x16xf32, #tpu.memory_space<vmem>>[vector<16xi32>, vector<16xi32>], vector<16xf32>,
        %gather3A_273 = tpu.vector_load_idx %arg27[%add3A_233, %broadcast_in_dim3A_271] : memref<400x16xf32, #tpu.memory_space<vmem>>[vector<16xi32>, vector<16xi32>], vector<16xf32>,
        %sub3A_274 = arith.subf %gather3A_272, %gather3A_273 : vector<16xf32>
        %mul3A_275 = arith.mulf %sub3A_274, %sub3A_274 : vector<16xf32>
        %add3A_276 = arith.addf %add3A_269, %mul3A_275 : vector<16xf32>
        %broadcast_in_dim3A_277 = arith.constant 6 : i32
        %broadcast_in_dim3A_278 = vector.broadcast %broadcast_in_dim3A_277 : i32 to vector<16xi32>
        %gather3A_279 = tpu.vector_load_idx %arg23[%add3A_233, %broadcast_in_dim3A_278] : memref<400x16xf32, #tpu.memory_space<vmem>>[vector<16xi32>, vector<16xi32>], vector<16xf32>,
        %gather3A_280 = tpu.vector_load_idx %arg27[%add3A_233, %broadcast_in_dim3A_278] : memref<400x16xf32, #tpu.memory_space<vmem>>[vector<16xi32>, vector<16xi32>], vector<16xf32>,
        %sub3A_281 = arith.subf %gather3A_279, %gather3A_280 : vector<16xf32>
        %mul3A_282 = arith.mulf %sub3A_281, %sub3A_281 : vector<16xf32>
        %add3A_283 = arith.addf %add3A_276, %mul3A_282 : vector<16xf32>
        %broadcast_in_dim3A_284 = arith.constant 7 : i32
        %broadcast_in_dim3A_285 = vector.broadcast %broadcast_in_dim3A_284 : i32 to vector<16xi32>
        %gather3A_286 = tpu.vector_load_idx %arg23[%add3A_233, %broadcast_in_dim3A_285] : memref<400x16xf32, #tpu.memory_space<vmem>>[vector<16xi32>, vector<16xi32>], vector<16xf32>,
        %gather3A_287 = tpu.vector_load_idx %arg27[%add3A_233, %broadcast_in_dim3A_285] : memref<400x16xf32, #tpu.memory_space<vmem>>[vector<16xi32>, vector<16xi32>], vector<16xf32>,
        %sub3A_288 = arith.subf %gather3A_286, %gather3A_287 : vector<16xf32>
        %mul3A_289 = arith.mulf %sub3A_288, %sub3A_288 : vector<16xf32>
        %add3A_290 = arith.addf %add3A_283, %mul3A_289 : vector<16xf32>
        %broadcast_in_dim3A_291 = arith.constant 8 : i32
        %broadcast_in_dim3A_292 = vector.broadcast %broadcast_in_dim3A_291 : i32 to vector<16xi32>
        %gather3A_293 = tpu.vector_load_idx %arg23[%add3A_233, %broadcast_in_dim3A_292] : memref<400x16xf32, #tpu.memory_space<vmem>>[vector<16xi32>, vector<16xi32>], vector<16xf32>,
        %gather3A_294 = tpu.vector_load_idx %arg27[%add3A_233, %broadcast_in_dim3A_292] : memref<400x16xf32, #tpu.memory_space<vmem>>[vector<16xi32>, vector<16xi32>], vector<16xf32>,
        %add3A_295 = arith.addf %gather3A_293, %gather3A_294 : vector<16xf32>
        %bitcast3A = vector.bitcast %add3A_290 : vector<16xf32> to vector<16xi32>
        %shift_right_logical3A = arith.constant 1 : i32
        %shift_right_logical3A_296 = vector.broadcast %shift_right_logical3A : i32 to vector<16xi32>
        %shift_right_logical3A_297 = arith.shrui %bitcast3A, %shift_right_logical3A_296 : vector<16xi32>
        %sub3A_298 = arith.constant 1597463007 : i32
        %sub3A_299 = vector.broadcast %sub3A_298 : i32 to vector<16xi32>
        %sub3A_300 = arith.subi %sub3A_299, %shift_right_logical3A_297 : vector<16xi32>
        %bitcast3A_301 = vector.bitcast %sub3A_300 : vector<16xi32> to vector<16xf32>
        %mul3A_302 = arith.constant 5.000000e-01 : f32
        %mul3A_303 = vector.broadcast %mul3A_302 : f32 to vector<16xf32>
        %mul3A_304 = arith.mulf %add3A_290, %mul3A_303 : vector<16xf32>
        %mul3A_305 = arith.mulf %mul3A_304, %bitcast3A_301 : vector<16xf32>
        %mul3A_306 = arith.mulf %mul3A_305, %bitcast3A_301 : vector<16xf32>
        %sub3A_307 = arith.constant 1.500000e+00 : f32
        %sub3A_308 = vector.broadcast %sub3A_307 : f32 to vector<16xf32>
        %sub3A_309 = arith.subf %sub3A_308, %mul3A_306 : vector<16xf32>
        %mul3A_310 = arith.mulf %bitcast3A_301, %sub3A_309 : vector<16xf32>
        %mul3A_311 = arith.mulf %mul3A_304, %mul3A_310 : vector<16xf32>
        %mul3A_312 = arith.mulf %mul3A_311, %mul3A_310 : vector<16xf32>
        %sub3A_313 = arith.constant 1.500000e+00 : f32
        %sub3A_314 = vector.broadcast %sub3A_313 : f32 to vector<16xf32>
        %sub3A_315 = arith.subf %sub3A_314, %mul3A_312 : vector<16xf32>
        %mul3A_316 = arith.mulf %mul3A_310, %sub3A_315 : vector<16xf32>
        %mul3A_317 = arith.mulf %add3A_290, %mul3A_316 : vector<16xf32>
        %sub3A_318 = arith.subf %add3A_295, %mul3A_317 : vector<16xf32>
        %get3A = arith.index_cast %mul3A_231 : i32 to index
        %get3A_319 = tpu.vector_load %arg19[%get3A] {strides = array<i32>} : memref<400xf32, #tpu.memory_space<vmem>>, vector<16xf32>,
        %sub3A_320 = arith.subf %sub3A_318, %get3A_319 : vector<16xf32>
        %mul3A_321 = arith.mulf %sub3A_320, %sub3A_320 : vector<16xf32>
        %add3A_322 = arith.addf %scan3A_229, %mul3A_321 : vector<16xf32>
        scf.yield %add3A_322 : vector<16xf32>
      }
      %scan3A_227 = arith.constant 25 : i32
      scf.yield %scan3A_226 : vector<16xf32>
    }
    %scan3A_84 = arith.constant 125 : i32
    %swap3A = arith.constant 0 : index
    %swap3A_85 = tpu.vector_load %arg28[%swap3A] {strides = array<i32>} : memref<16xf32, #tpu.memory_space<vmem>>, vector<16xf32>,
    tpu.vector_store %arg28[%swap3A], %scan3A_83 {strides = array<i32>} : memref<16xf32, #tpu.memory_space<vmem>>, vector<16xf32>,
    "tpu.region"() ({
      %run_scoped3A = tpu.sem_alloc : memref<!tpu.dma_semaphore, #tpu.memory_space<semaphore_mem>>
      %dma_start3A_86 = arith.constant 0 : i32
      %dma_start3A_87 = tpu.memref_slice %arg7[%add3A, %dma_start3A_86] : memref<32x16xf32, #tpu.memory_space<hbm>> -> memref<1x16xf32, #tpu.memory_space<hbm>>
      %dma_start3A_88 = tpu.memref_squeeze %dma_start3A_87 : memref<1x16xf32, #tpu.memory_space<hbm>> -> memref<16xf32, #tpu.memory_space<hbm>>
      %dma_start3A_89 = arith.constant 0 : i32
      %dma_start3A_90 = tpu.memref_slice %arg7[%add3A, %dma_start3A_89] : memref<32x16xf32, #tpu.memory_space<hbm>> -> memref<1x16xf32, #tpu.memory_space<hbm>>
      %dma_start3A_91 = tpu.memref_squeeze %dma_start3A_90 : memref<1x16xf32, #tpu.memory_space<hbm>> -> memref<16xf32, #tpu.memory_space<hbm>>
      tpu.enqueue_dma source(%arg28 : memref<16xf32, #tpu.memory_space<vmem>>) target(%dma_start3A_91 : memref<16xf32, #tpu.memory_space<hbm>>) target_semaphore(%run_scoped3A : memref<!tpu.dma_semaphore, #tpu.memory_space<semaphore_mem>>)
      %dma_wait3A_92 = arith.constant 0 : i32
      %dma_wait3A_93 = tpu.memref_slice %arg7[%add3A, %dma_wait3A_92] : memref<32x16xf32, #tpu.memory_space<hbm>> -> memref<1x16xf32, #tpu.memory_space<hbm>>
      %dma_wait3A_94 = tpu.memref_squeeze %dma_wait3A_93 : memref<1x16xf32, #tpu.memory_space<hbm>> -> memref<16xf32, #tpu.memory_space<hbm>>
      %dma_wait3A_95 = arith.constant 0 : i32
      %dma_wait3A_96 = tpu.memref_slice %arg7[%add3A, %dma_wait3A_95] : memref<32x16xf32, #tpu.memory_space<hbm>> -> memref<1x16xf32, #tpu.memory_space<hbm>>
      %dma_wait3A_97 = tpu.memref_squeeze %dma_wait3A_96 : memref<1x16xf32, #tpu.memory_space<hbm>> -> memref<16xf32, #tpu.memory_space<hbm>>
      tpu.wait_dma2 semaphore(%run_scoped3A : memref<!tpu.dma_semaphore, #tpu.memory_space<semaphore_mem>>) src(%arg28 : memref<16xf32, #tpu.memory_space<vmem>>) dst(%dma_wait3A_97 : memref<16xf32, #tpu.memory_space<hbm>>)
      tpu.yield
    }) : () -> ()
    return
  }
}

</mosaic_0001>

<sc_bundles>
// kernel: kernel.3.cloned.1.call-start
scs
__scs_entry_jumppad:
0x0: {  	(pc) =	sbr.rel $0x88, $3  }
0x1: {  	(tag) =	ssettag $0x0;
	lr =	simm.s32 $0x1  }
0x2: {  	[smem:$0x3F9C] =	sst lr;
	_ =	strace $0xD0000000  }
0x3: {  	_ = 	snop  }
0x4: {  	_ = 	snop  }
0x5: {  	_ = 	snop  }
0x6: {  	_ = 	snop  }
0x7: {  	_ = 	snop  }
__scs_overlays_trampoline_lowered:
0x8: {  	[smem:$0x3FAB] =	sst s0  }
0x9: {  	[smem:$0x3FAC] =	sst s1  }
0xa: {  	[smem:$0x3FAD] =	sst s2  }
0xb: {  	[smem:$0x3FAE] =	sst s3  }
0xc: {  	[smem:$0x3FAF] =	sst s4  }
0xd: {  	[smem:$0x3FB0] =	sst s5  }
0xe: {  	[smem:$0x3FB1] =	sst s6  }
0xf: {  	[smem:$0x3FB2] =	sst s7  }
0x10: {  	[smem:$0x3FB3] =	sst s8  }
0x11: {  	[smem:$0x3FB4] =	sst s9;
	s0 =	simm.s32 @!p0 $0x0  }
0x12: {  	s1 =	sld [smem:$0x3F9A];
	s0 =	simm.s32 @p0 $0x1  }
0x13: {  	[smem:$0x3FB5] =	sst s0;
	s0 =	simm.s32 @!p1 $0x0  }
0x14: {  	s2 =	sld [smem:$0x3F99];
	s0 =	simm.s32 @p1 $0x1  }
0x15: {  	[smem:$0x3FB6] =	sst s0;
	s0 =	simm.s32 @!p2 $0x0  }
0x16: {  	s3 =	sld [smem:$0x3FDB];
	s0 =	simm.s32 @p2 $0x1  }
0x17: {  	s4 =	simm.s32 $0x1BF5;
	[smem:$0x3FB8] =	sst s0  }
0x18: {  	s0 =	sld [smem:$0x3F9B];
	_ =	swait.ge [sflag:s4], $0x0  }
0x19: {  	s7 =	sld [smem:$0x3F9C]  }
0x1a: {  	s8 =	sadd.s32 $0xFFFFE003, lr  }
0x1b: {  	s9 =	sadd.s32 $0xFFFFFEF7, lr;
	s5 =	simm.s32 $0xFFFFFFFF;
	p2 =	slt.u32 s8, $0xFFFFF086  }
0x1c: {  	p1 =	slt.u32 s9, $0xF7A;
	s5 =	simm.s32 @!p2 $0x0  }
0x1d: {  	s5 =	simm.s32 @p1 $0x1;
	p0 =	seq.s32 s7, s2  }
0x1e: {  	s7 =	smul.u32 @!p0 $0xF7A, s2;
	p2 =	seq.s32 @!p0 s5, $0x0  }
0x1f: {  	s9 =	smul.u32 $0xF7A, s1;
	s8 =	simm.s32 @!p0 $0x1BF5;
	p2 =	por !p2, p0  }
0x20: {  	[sflag:s8] =	ssyncset.s32 @!p0 $0xFFFFF086;
	s6 =	sadd.s32 @!p0 s3, s7;
	s7 =	simm.s32 @!p0 $0x108  }
0x21: {  	s3 =	sadd.s32 s3, s9;
	s6 =	sadd.s32 @!p0 $0x88, s6;
	s7 =	simm.s32 @p2 $0x1082  }
0x22: {  	[simem:s7], [sflag:s8] =	dma.local @!p0 [hbm:s6], $0xF7A  }
0x23: {  	s9 =	sor.u32 $0xD0000000, s2;
	s6 =	simm.s32 $0x108;
	_ =	swait.ge @!p0 [sflag:s8], $0x0  }
0x24: {  	s3 =	sadd.s32 $0x88, s3;
	s6 =	simm.s32 @!p1 $0x1082;
	[sflag:s4] =	ssyncset.s32 $0xFFFFF086  }
0x25: {  	[simem:s6], [sflag:s4] =	dma.local [hbm:s3], $0xF7A  }
0x26: {  	[smem:$0x3F9C] =	sst s1;
	(tag) =	ssettag s2;
	_ =	strace s9  }
0x27: {  	s1 =	sld [smem:$0x3FAC]  }
0x28: {  	s2 =	sld [smem:$0x3FAD]  }
0x29: {  	s4 =	sld [smem:$0x3FAF]  }
0x2a: {  	p0 =	seq.s32 s5, $0x0;
	s5 =	sld [smem:$0x3FB0]  }
0x2b: {  	s6 =	sld [smem:$0x3FB1]  }
0x2c: {  	s7 =	sld [smem:$0x3FB2]  }
0x2d: {  	s3 =	simm.s32 $0x108;
	s8 =	sld [smem:$0x3FB3]  }
0x2e: {  	s3 =	simm.s32 @!p0 $0x1082;
	s9 =	sld [smem:$0x3FB4]  }
0x2f: {  	lr =	sadd.s32 s0, s3;
	s0 =	sld [smem:$0x3FAB]  }
0x30: {  	s3 =	sld [smem:$0x3FAE]  }
0x31: {  	[smem:$0x3FB7] =	sst s10  }
0x32: {  	s10 =	sld [smem:$0x3FB5];
	_ =	sdelay $0x3  }
0x33: {  	p0 =	seq.s32 s10, $0x1;
	s10 =	sld [smem:$0x3FB7];
	_ =	sdelay $0x3  }
0x34: {  	[smem:$0x3FB7] =	sst s10  }
0x35: {  	s10 =	sld [smem:$0x3FB6];
	_ =	sdelay $0x3  }
0x36: {  	p1 =	seq.s32 s10, $0x1;
	s10 =	sld [smem:$0x3FB7];
	_ =	sdelay $0x3  }
0x37: {  	[smem:$0x3FB7] =	sst s10  }
0x38: {  	s10 =	sld [smem:$0x3FB8]  }
0x39: {  	_ = 	snop;
	(pc) =	sbr.ind lr, $3  }
0x3a: {  	_ = 	snop  }
0x3b: {  	_ = 	snop  }
0x3c: {  	p2 =	seq.s32 s10, $0x1;
	s10 =	sld [smem:$0x3FB7]  }
0x3d: {  	_ =	shalt  }
0x3e: {  	_ =	shalt  }
0x3f: {  	_ =	shalt  }
0x40: {  	_ =	shalt  }
0x41: {  	_ =	shalt  }
0x42: {  	_ =	shalt  }
0x43: {  	_ =	shalt  }
0x44: {  	_ =	shalt  }
0x45: {  	_ =	shalt  }
0x46: {  	_ =	shalt  }
0x47: {  	_ =	shalt  }
0x48: {  	_ =	shalt  }
0x49: {  	_ =	shalt  }
0x4a: {  	_ =	shalt  }
0x4b: {  	_ =	shalt  }
0x4c: {  	_ =	shalt  }
0x4d: {  	_ =	shalt  }
0x4e: {  	_ =	shalt  }
0x4f: {  	_ =	shalt  }
0x50: {  	_ =	shalt  }
0x51: {  	_ =	shalt  }
0x52: {  	_ =	shalt  }
0x53: {  	_ =	shalt  }
0x54: {  	_ =	shalt  }
0x55: {  	_ =	shalt  }
0x56: {  	_ =	shalt  }
0x57: {  	_ =	shalt  }
0x58: {  	_ =	shalt  }
0x59: {  	_ =	shalt  }
0x5a: {  	_ =	shalt  }
0x5b: {  	_ =	shalt  }
0x5c: {  	_ =	shalt  }
0x5d: {  	_ =	shalt  }
0x5e: {  	_ =	shalt  }
0x5f: {  	_ =	shalt  }
0x60: {  	_ =	shalt  }
0x61: {  	_ =	shalt  }
0x62: {  	_ =	shalt  }
0x63: {  	_ =	shalt  }
0x64: {  	_ =	shalt  }
0x65: {  	_ =	shalt  }
0x66: {  	_ =	shalt  }
0x67: {  	_ =	shalt  }
0x68: {  	_ =	shalt  }
0x69: {  	_ =	shalt  }
0x6a: {  	_ =	shalt  }
0x6b: {  	_ =	shalt  }
0x6c: {  	_ =	shalt  }
0x6d: {  	_ =	shalt  }
0x6e: {  	_ =	shalt  }
0x6f: {  	_ =	shalt  }
0x70: {  	_ =	shalt  }
0x71: {  	_ =	shalt  }
0x72: {  	_ =	shalt  }
0x73: {  	_ =	shalt  }
0x74: {  	_ =	shalt  }
0x75: {  	_ =	shalt  }
0x76: {  	_ =	shalt  }
0x77: {  	_ =	shalt  }
0x78: {  	_ =	shalt  }
0x79: {  	_ =	shalt  }
0x7a: {  	_ =	shalt  }
0x7b: {  	_ =	shalt  }
0x7c: {  	_ =	shalt  }
0x7d: {  	_ =	shalt  }
0x7e: {  	_ =	shalt  }
0x7f: {  	_ =	shalt  }
0x80: {  	_ =	shalt  }
0x81: {  	_ =	shalt  }
0x82: {  	_ =	shalt  }
0x83: {  	_ =	shalt  }
0x84: {  	_ =	shalt  }
0x85: {  	_ =	shalt  }
0x86: {  	_ =	shalt  }
0x87: {  	_ =	shalt  }
.Lfunc_end0:
.L_simem_size_0:
called_computation_lowered:
.L_overlay_start_0:
0x88: {  	s2 =	sld [smem:$0x3FD9]  }
0x89: {  	s3 =	sld [smem:$0x3FFE];
	_ =	sdelay $0x1  }
0x8a: {  	s1 =	srdreg.scid  }
0x8b: {  	s0 =	sand.u32 $0x1, s1  }
0x8c: {  	s17 =	sshll.u32 s0, $0xA;
	s2 =	sadd.s32 s3, s2  }
0x8d: {  	s2 =	sadd.s32 s2, s17  }
0x8e: {  	[smem:$0x3FC3] =	sst s2  }
0x8f: {  	_ = 	snop  }
0x90: {  	s2 =	sld [smem:$0x3FC7]  }
0x91: {  	s18 =	sld [smem:$0x3FC6]  }
0x92: {  	s4 =	sld [smem:$0x3FC5];
	(tm) =	ssettm $0x1  }
0x93: {  	s5 =	sld [smem:$0x3FFB];
	_ =	sdelay $0x3  }
0x94: {  	_ =	strace s5  }
0x95: {  	s5 =	sld [smem:$0x3FFC];
	_ =	sdelay $0x3  }
0x96: {  	_ =	strace s5  }
0x97: {  	s5 =	sld [smem:$0x3FFD];
	_ =	sdelay $0x3  }
0x98: {  	_ =	strace s5  }
0x99: {  	_ =	strace $0x8FFFFFFF  }
0x9a: {  	s19 =	sld [smem:$0x3FDB];
	_ =	sdelay $0x1  }
0x9b: {  	s6 =	simm.s32 $_scs_section_size  }
0x9c: {  	s7 =	simm.s32 $_size__tile_overlayer_lowered;
	s8 =	simm.s32 $_tile_overlayer_lowered  }
0x9d: {  	s22 =	simm.s32 $0x1BFF;
	s21 =	sshll.u32 s8, $0x1;
	s5 =	sadd.s32 s6, s19  }
0x9e: {  	s9 =	simm.s32 $0x0;
	s20 =	sshll.u32 s7, $0x1;
	s7 =	sadd.s32 s21, s5  }
0x9f: {  	[timem:s9], [sflag:s22] =	dma.local [hbm:s7], s20  }
0xa0: {  	_ =	swait.ge [sflag:s22], s20  }
0xa1: {  	s6 =	ssub.s32 $0x0, s20;
	[sflag:s22] =	ssyncset.done $0x0  }
0xa2: {  	[sflag:s22] =	ssyncadd.s32 s6;
	_ =	sdelay $0x1  }
0xa3: {  	s23 =	simm.s32 $0x1B8B  }
0xa4: {  	_ =	swait.ge [sflag:s23], $0x1  }
0xa5: {  	[sflag:s23] =	ssyncset.done $0x0  }
0xa6: {  	s25 =	simm.s32 $0x1B8E;
	s24 =	sld [smem:$0x3FFE];
	[sflag:s23] =	ssyncadd.s32 $0xFFFFFFFF  }
0xa7: {  	s26 =	simm.s32 $execute0_lowered;
	[smem:$0x3FD2] =	sst s25  }
0xa8: {  	s7 =	sshll.u32 s26, $0x1;
	_ =	strace $0x80000046;
	[dreg:$0x1] =	wrdreg $0xFFFFFFFF  }
0xa9: {  	s28 =	simm.s32 $_size_execute0_lowered;
	s5 =	sadd.s32 s5, s7;
	[dreg:$0x0] =	wrdreg $0x0  }
0xaa: {  	s7 =	sshll.u32 s28, $0x1;
	[dreg:$0x2] =	wrdreg s5  }
0xab: {  	[dreg:$0x3] =	wrdreg s7  }
0xac: {  	[dreg:$0x4] =	wrdreg $0xC0  }
0xad: {  	_ =	task [dreg:s9], $0x5FFFF  }
0xae: {  	[dreg:$0x1] =	wrdreg $0xFFFFFFFF  }
0xaf: {  	[dreg:$0x0] =	wrdreg $0x60  }
0xb0: {  	[dreg:$0x2] =	wrdreg s24  }
0xb1: {  	[dreg:$0x3] =	wrdreg s2  }
0xb2: {  	[dreg:$0x4] =	wrdreg s18  }
0xb3: {  	[dreg:$0x5] =	wrdreg s4  }
0xb4: {  	[dreg:$0x6] =	wrdreg $0x9  }
0xb5: {  	_ =	task.clear_ibuf [dreg:s9], $0x7FFFF;
	_ =	strace $0x90000046  }
0xb6: {  	s29 =	simm.s32 $0x9;
	_ =	strace $0x80000048  }
0xb7: {  	_ =	swait.ge [sflag:s29], $0x1  }
0xb8: {  	[sflag:s29] =	ssyncadd.s32 $0xFFFFFFFF  }
0xb9: {  	_ =	strace $0x90000048  }
0xba: {  	_ =	sfence  }
0xbb: {  	s30 =	sld [smem:$0x0];
	_ =	sdelay $0x2  }
0xbc: {  	s31 =	sshll.u32 s1, $0xD;
	s1 =	sshrl.u32 s1, $0x2  }
0xbd: {  	s3 =	sand.u32 $0x4000, s31;
	s1 =	sadd.s32 s1, s30  }
0xbe: {  	s0 =	sor.u32 s3, s0;
	s1 =	sshll.u32 s1, $0x11  }
0xbf: {  	s0 =	sor.u32 s1, s0  }
0xc0: {  	s0 =	sadd.s32 $0x8F2B, s0  }
0xc1: {  	[sflag:s0] =	ssyncadd.remote.s32 $0x1  }
0xc2: {  	_ =	sfence.sel $0xFFFF  }
0xc3: {  	[dreg:$0x0] =	wrdreg $0xFFFFFFFF;
	(pc) =	sbr.abs _section_cstart, $3  }
0xc4: {  	[dreg:$0x1] =	wrdreg $0xFFFFFFFF  }
0xc5: {  	_ =	task.clear_ibuf [dreg:s9], $0x2FFFF;
	_ =	strace $0x9FFFFFFF  }
0xc6: {  	(tm) =	ssettm $0x7FFFFFFF  }
0xc7: {  	_ =	shalt  }
tec
execute0_lowered:
.L_overlay_start_1:
0x0: {  	(tag) =	ssettag $0x1  }
0x1: {  	s0 =	rddreg [dreg:$0x0]  }
0x2: {  	s1 =	rddreg [dreg:$0x1]  }
0x3: {  	s3 =	rddreg [dreg:$0x2]  }
0x4: {  	s4 =	rddreg [dreg:$0x3]  }
0x5: {  	s2 =	srdreg.scid;
	s5 =	stileid.u32;
	s16 =	simm.s32 $0x0  }
0x6: {  	s31 =	simm.s32 $0x12C0;
	s29 =	simm.s32 $0x44C0;
	s12 =	simm.s32 $0x5  }
0x7: {  	s13 =	simm.s32 $0x9;
	s2 =	sand.u32 $0x1, s2;
	s5 =	sshll.u32 s5, $0x1  }
0x8: {  	s30 =	simm.s32 $0x8;
	s7 =	sadd.s32 $0x1B7C00, s0;
	s5 =	sor.u32 s2, s5  }
0x9: {  	[smem:$0x7FF] =	sst s16;
	s8 =	sadd.s32 $0x186E00, s0;
	s6 =	smul.u32 $0x30D40, s5  }
0xa: {  	_ =	strace $0x80000047;
	s2 =	ssub.s32 $0x2, s2;
	s5 =	sshll.u32 s5, $0x1  }
0xb: {  	s9 =	sshrl.u32 s2, $0x1;
	s0 =	sadd.s32 s5, s0;
	s22 =	sadd.s32 $0x4B0, s6  }
0xc: {  	s2 =	ssub.s32 s2, s9;
	s26 =	sadd.s32 $0xAF0, s6;
	[dreg:$0xc] =	wrdreg s22  }
0xd: {  	s9 =	simm.s32 $0xA8C0;
	s0 =	sadd.s32 $0x400, s0;
	[dreg:$0x11] =	wrdreg s26  }
0xe: {  	s10 =	sshrl.u32 s6, $0x3;
	s28 =	smax.u32 s2, $0x1;
	[dreg:$0x12] =	wrdreg s0  }
0xf: {  	s2 =	simm.s32 $0xC;
	s14 =	sadd.s32 s1, s10;
	[dreg:$0x13] =	wrdreg s28  }
0x10: {  	s15 =	sadd.s32 s3, s10;
	s17 =	sadd.s32 $0x32, s10;
	[dreg:$0x5] =	wrdreg s14  }
0x11: {  	s18 =	sadd.s32 $0x64, s10;
	s10 =	sadd.s32 s4, s10;
	[dreg:$0x6] =	wrdreg s15  }
0x12: {  	s24 =	sshrl.u32 s22, $0x3;
	s11 =	sadd.s32 s1, s17;
	[dreg:$0xb] =	wrdreg s10  }
0x13: {  	s0 =	simm.s32 $0x76C0;
	s19 =	sadd.s32 s3, s17;
	[dreg:$0x7] =	wrdreg s11  }
0x14: {  	s26 =	simm.s32 $0x8FC0;
	s20 =	sadd.s32 s1, s18;
	[dreg:$0x8] =	wrdreg s19  }
0x15: {  	s22 =	simm.s32 $0x7;
	s21 =	sadd.s32 s3, s18;
	[dreg:$0x9] =	wrdreg s20  }
0x16: {  	s5 =	sadd.s32 s4, s17;
	s23 =	sadd.s32 s4, s18;
	[dreg:$0xa] =	wrdreg s21  }
0x17: {  	s25 =	sadd.s32 s1, s24;
	s14 =	simm.s32 $0x4;
	[dreg:$0xd] =	wrdreg s5  }
0x18: {  	s15 =	simm.s32 $0x5DC0;
	s17 =	simm.s32 $0xC1C0;
	[dreg:$0xe] =	wrdreg s23  }
0x19: {  	[dreg:$0xf] =	wrdreg s25;
	s5 =	sadd.s32 s3, s24;
	s25 =	simm.s32 $0x190  }
0x1a: {  	v0 =	vlaneseq.u32;
	s24 =	simm.s32 $0x2BC0;
	s19 =	simm.s32 $0x6;
	s20 =	simm.s32 $0xA  }
0x1b: {  	v0 =	vmul.u32 $0x10, v0;
	s23 =	simm.s32 $0xB;
	s11 =	simm.s32 $0x0;
	[dreg:$0x10] =	wrdreg s5  }
.LBB2_1:
0x1c: {  	[dreg:$0x14] =	wrdreg s11  }
0x1d: {  	s5 =	rddreg [dreg:$0x5]  }
0x1e: {  	[tilespmem:s16], [sflag:$0x1] =	stream.linear.gather [hbm4b:s5+s16], $0x190, $0x38;
	[tilespmem:$0xDAD0] =	vst v63  }
0x1f: {  	s21 =	rddreg [dreg:$0x6];
	s10 =	simm.s32 $0x640  }
0x20: {  	[tilespmem:s10], [sflag:$0x1] =	stream.linear.gather [hbm4b:s21+s16], $0x190, $0x38;
	[tilespmem:$0xDAD0] =	vst v63  }
0x21: {  	s11 =	rddreg [dreg:$0x7]  }
0x22: {  	[tilespmem:s25], [sflag:$0x2] =	stream.linear.gather [hbm4b:s11+s16], $0x190, $0x38;
	[tilespmem:$0xDAD0] =	vst v63  }
0x23: {  	s18 =	rddreg [dreg:$0x8];
	s11 =	simm.s32 $0x7D0  }
0x24: {  	[tilespmem:s11], [sflag:$0x2] =	stream.linear.gather [hbm4b:s18+s16], $0x190, $0x38;
	[tilespmem:$0xDAD0] =	vst v63  }
0x25: {  	s21 =	rddreg [dreg:$0x9];
	s18 =	simm.s32 $0x320  }
0x26: {  	[tilespmem:s18], [sflag:$0x3] =	stream.linear.gather [hbm4b:s21+s16], $0x190, $0x38;
	[tilespmem:$0xDAD0] =	vst v63  }
0x27: {  	s5 =	rddreg [dreg:$0xa];
	s21 =	simm.s32 $0x960  }
0x28: {  	[tilespmem:s21], [sflag:$0x3] =	stream.linear.gather [hbm4b:s5+s16], $0x190, $0x38;
	[tilespmem:$0xDAD0] =	vst v63  }
0x29: {  	s5 =	simm.s32 $0x1  }
0x2a: {  	_ =	swait.ge [sflag:s5], $0x190  }
0x2b: {  	[sflag:s5] =	ssyncset.done $0x0  }
0x2c: {  	[sflag:s5] =	ssyncadd.s32 $0xFFFFFE70  }
0x2d: {  	_ =	swait.ge [sflag:s5], $0x190  }
0x2e: {  	[sflag:s5] =	ssyncset.done $0x0  }
0x2f: {  	[sflag:s5] =	ssyncadd.s32 $0xFFFFFE70  }
0x30: {  	[tilespmem:s31], [sflag:$0x5] =	stream.indirect.gather [hbm4b:s7+s25], $0x10, s16, s25, $0xb8;
	[tilespmem:$0xDAD0] =	vst v63  }
0x31: {  	_ = 	snop  }
0x32: {  	[tilespmem:s0], [sflag:$0x5] =	stream.indirect.gather [hbm4b:s8+s25], $0x10, s10, s25, $0xb8;
	[tilespmem:$0xDAD0] =	vst v63  }
0x33: {  	s5 =	rddreg [dreg:$0xb];
	s10 =	simm.s32 $0xC80  }
0x34: {  	[tilespmem:s10], [sflag:$0x9] =	stream.linear.gather [hbm4b:s5+s16], $0x190, $0x38;
	[tilespmem:$0xDAD0] =	vst v63  }
0x35: {  	s10 =	simm.s32 $0x2  }
0x36: {  	_ =	swait.ge [sflag:s10], $0x190  }
0x37: {  	[sflag:s10] =	ssyncset.done $0x0  }
0x38: {  	[sflag:s10] =	ssyncadd.s32 $0xFFFFFE70  }
0x39: {  	_ =	swait.ge [sflag:s10], $0x190  }
0x3a: {  	[sflag:s10] =	ssyncset.done $0x0  }
0x3b: {  	[sflag:s10] =	ssyncadd.s32 $0xFFFFFE70  }
0x3c: {  	[tilespmem:s24], [sflag:$0x6] =	stream.indirect.gather [hbm4b:s7+s25], $0x10, s25, s25, $0xb8;
	[tilespmem:$0xDAD0] =	vst v63  }
0x3d: {  	_ = 	snop  }
0x3e: {  	[tilespmem:s26], [sflag:$0x6] =	stream.indirect.gather [hbm4b:s8+s25], $0x10, s11, s25, $0xb8;
	[tilespmem:$0xDAD0] =	vst v63  }
0x3f: {  	s10 =	rddreg [dreg:$0xd];
	s11 =	simm.s32 $0xE10  }
0x40: {  	[tilespmem:s11], [sflag:$0xA] =	stream.linear.gather [hbm4b:s10+s16], $0x190, $0x38;
	[tilespmem:$0xDAD0] =	vst v63  }
0x41: {  	s11 =	simm.s32 $0x3  }
0x42: {  	_ =	swait.ge [sflag:s11], $0x190  }
0x43: {  	[sflag:s11] =	ssyncset.done $0x0  }
0x44: {  	[sflag:s11] =	ssyncadd.s32 $0xFFFFFE70  }
0x45: {  	_ =	swait.ge [sflag:s11], $0x190  }
0x46: {  	[sflag:s11] =	ssyncset.done $0x0  }
0x47: {  	[sflag:s11] =	ssyncadd.s32 $0xFFFFFE70  }
0x48: {  	[tilespmem:s29], [sflag:$0x7] =	stream.indirect.gather [hbm4b:s7+s25], $0x10, s18, s25, $0xb8;
	[tilespmem:$0xDAD0] =	vst v63  }
0x49: {  	_ = 	snop  }
0x4a: {  	[tilespmem:s9], [sflag:$0x7] =	stream.indirect.gather [hbm4b:s8+s25], $0x10, s21, s25, $0xb8;
	[tilespmem:$0xDAD0] =	vst v63  }
0x4b: {  	s18 =	rddreg [dreg:$0xe];
	s21 =	simm.s32 $0xFA0  }
0x4c: {  	[tilespmem:s21], [sflag:$0xB] =	stream.linear.gather [hbm4b:s18+s16], $0x190, $0x38;
	[tilespmem:$0xDAD0] =	vst v63  }
0x4d: {  	s10 =	rddreg [dreg:$0xf];
	s11 =	simm.s32 $0x4B0  }
0x4e: {  	[tilespmem:s11], [sflag:$0x4] =	stream.linear.gather [hbm4b:s10+s16], $0x190, $0x38;
	[tilespmem:$0xDAD0] =	vst v63  }
0x4f: {  	s28 =	simm.s32 $0x0;
	s18 =	rddreg [dreg:$0x10];
	s21 =	simm.s32 $0xAF0  }
0x50: {  	v1 =	vimm.f32 $0.0e+00;
	[tilespmem:s21], [sflag:$0x4] =	stream.linear.gather [hbm4b:s18+s16], $0x190, $0x38;
	[tilespmem:$0xDAD0] =	vst v63  }
.LBB2_2:
0x51: {  	_ =	swait.ge [sflag:s12], $0x1900  }
0x52: {  	[sflag:s12] =	ssyncset.done $0x0  }
0x53: {  	[sflag:s12] =	ssyncadd.s32 $0xFFFFE700  }
0x54: {  	_ =	swait.ge [sflag:s12], $0x1900  }
0x55: {  	[sflag:s12] =	ssyncset.done $0x0  }
0x56: {  	[sflag:s12] =	ssyncadd.s32 $0xFFFFE700  }
0x57: {  	_ =	swait.ge [sflag:s13], $0x190  }
0x58: {  	[sflag:s13] =	ssyncset.done $0x0  }
0x59: {  	[sflag:s13] =	ssyncadd.s32 $0xFFFFFE70  }
0x5a: {  	_ =	swait.ge [sflag:s14], $0x190  }
0x5b: {  	[sflag:s14] =	ssyncset.done $0x0  }
0x5c: {  	[sflag:s14] =	ssyncadd.s32 $0xFFFFFE70  }
0x5d: {  	_ =	swait.ge [sflag:s14], $0x190  }
0x5e: {  	[sflag:s14] =	ssyncset.done $0x0  }
0x5f: {  	s5 =	simm.s32 $0x4B0;
	[sflag:s14] =	ssyncadd.s32 $0xFFFFFE70  }
0x60: {  	[tilespmem:s15], [sflag:$0x8] =	stream.indirect.gather [hbm4b:s7+s25], $0x10, s5, s25, $0xb8;
	[tilespmem:$0xDAD0] =	vst v63  }
0x61: {  	s18 =	smul.u32 $0x640, s28;
	s10 =	simm.s32 $0xAF0;
	s11 =	sshll.u32 s28, $0x2  }
0x62: {  	[tilespmem:s17], [sflag:$0x8] =	stream.indirect.gather [hbm4b:s8+s25], $0x10, s10, s25, $0xb8;
	[tilespmem:$0xDAD0] =	vst v63  }
0x63: {  	p0 =	seq.s32 s28, $0x7C;
	s5 =	sadd.s32 $0x4, s11;
	s10 =	rddreg [dreg:$0xc]  }
0x64: {  	s5 =	smul.u32 @!p0 $0x190, s5;
	s10 =	sadd.s32 s18, s10  }
0x65: {  	s11 =	simm.s32 $0x0;
	s10 =	sshrl.u32 s10, $0x3  }
0x66: {  	s21 =	simm.s32 $0x1130;
	v2 =	vmov s11;
	s5 =	sadd.s32 @!p0 s6, s5;
	s10 =	sadd.s32 s4, s10  }
0x67: {  	v2 =	vshll.u32 v2, $0x4;
	[tilespmem:s21], [sflag:$0xC] =	stream.linear.gather [hbm4b:s10+s16], $0x190, $0x38;
	[tilespmem:$0xDAD0] =	vst v63  }
0x68: {  	v2 =	vor.u32 v0, v2;
	s10 =	sshrl.u32 @!p0 s5, $0x3  }
0x69: {  	s11 =	simm.s32 @!p0 $0x0;
	s5 =	sadd.s32 @!p0 s1, s10  }
0x6a: {  	v3 =	vor.u32 $0x1, v2;
	[tilespmem:s11], [sflag:$0x1] =	stream.linear.gather @!p0 [hbm4b:s5+s11], $0x190, $0x38;
	[tilespmem:$0xDAD0] =	vst v63  }
0x6b: {  	s16 =	simm.s32 @!p0 $0x640;
	s5 =	sadd.s32 @!p0 s3, s10  }
0x6c: {  	v4 =	vor.u32 $0x2, v2;
	[tilespmem:s16], [sflag:$0x1] =	stream.linear.gather @!p0 [hbm4b:s5+s11], $0x190, $0x38;
	[tilespmem:$0xDAD0] =	vst v63  }
0x6d: {  	v5 =	vld.idx.msk [tilespmem:v2+s31+$0x0], $0xffff  }
0x6e: {  	v7 =	vor.u32 $0x3, v2;
	v6 =	vld.idx.msk [tilespmem:v2+s0+$0x0], $0xffff  }
0x6f: {  	v8 =	vld.idx.msk [tilespmem:v3+s31+$0x0], $0xffff  }
0x70: {  	v9 =	vor.u32 $0x4, v2;
	v3 =	vld.idx.msk [tilespmem:v3+s0+$0x0], $0xffff  }
0x71: {  	v10 =	vld.idx.msk [tilespmem:v4+s31+$0x0], $0xffff  }
0x72: {  	v4 =	vld.idx.msk [tilespmem:v4+s0+$0x0], $0xffff  }
0x73: {  	v11 =	vor.u32 $0x5, v2;
	v12 =	vld.idx.msk [tilespmem:v7+s31+$0x0], $0xffff  }
0x74: {  	v7 =	vld.idx.msk [tilespmem:v7+s0+$0x0], $0xffff  }
0x75: {  	v13 =	vor.u32 $0x6, v2;
	s21 =	simm.s32 $0x10;
	v15 =	vld.idx.msk [tilespmem:v9+s31+$0x0], $0xffff  }
0x76: {  	v14 =	vmov s21;
	v9 =	vld.idx.msk [tilespmem:v9+s0+$0x0], $0xffff;
	v5 =	vsub.f32 v5, v6;
	v3 =	vsub.f32 v8, v3  }
0x77: {  	v6 =	vshll.u32 v14, $0x4;
	v8 =	vor.u32 $0x7, v2  }
0x78: {  	v4 =	vsub.f32 v10, v4;
	v10 =	vld.idx.msk [tilespmem:v11+s31+$0x0], $0xffff;
	v14 =	vmul.f32 v5, v5;
	v3 =	vmul.f32 v3, v3  }
0x79: {  	v5 =	vor.u32 v0, v6;
	v6 =	vld.idx.msk [tilespmem:v11+s0+$0x0], $0xffff  }
0x7a: {  	v7 =	vsub.f32 v12, v7;
	v12 =	vld.idx.msk [tilespmem:v13+s0+$0x0], $0xffff;
	v4 =	vmul.f32 v4, v4;
	v3 =	vadd.f32 v3, v14  }
0x7b: {  	v9 =	vsub.f32 v15, v9;
	v11 =	vld.idx.msk [tilespmem:v13+s31+$0x0], $0xffff  }
0x7c: {  	v13 =	vor.u32 $0x2, v5;
	v14 =	vld.idx.msk [tilespmem:v8+s31+$0x0], $0xffff;
	v3 =	vadd.f32 v4, v3;
	v4 =	vmul.f32 v7, v7  }
0x7d: {  	v7 =	vld.idx.msk [tilespmem:v8+s0+$0x0], $0xffff;
	v8 =	vor.u32 $0x1, v5  }
0x7e: {  	v6 =	vsub.f32 v10, v6;
	v3 =	vadd.f32 v4, v3;
	v4 =	vmul.f32 v9, v9  }
0x7f: {  	v10 =	vor.u32 $0x3, v5;
	v15 =	vld.idx.msk [tilespmem:v5+s0+$0x0], $0xffff  }
0x80: {  	v9 =	vld.idx.msk [tilespmem:v5+s31+$0x0], $0xffff;
	v3 =	vadd.f32 v4, v3;
	v4 =	vmul.f32 v6, v6;
	v6 =	vsub.f32 v11, v12  }
0x81: {  	v11 =	vld.idx.msk [tilespmem:v13+s31+$0x0], $0xffff;
	v12 =	vor.u32 $0x4, v5  }
0x82: {  	v16 =	vld.idx.msk [tilespmem:v8+s31+$0x0], $0xffff;
	v3 =	vadd.f32 v4, v3;
	v4 =	vmul.f32 v6, v6;
	v6 =	vsub.f32 v14, v7  }
0x83: {  	v7 =	vld.idx.msk [tilespmem:v8+s0+$0x0], $0xffff  }
0x84: {  	v8 =	vld.idx.msk [tilespmem:v13+s0+$0x0], $0xffff;
	v13 =	vor.u32 $0x5, v5;
	v3 =	vadd.f32 v4, v3;
	v4 =	vmul.f32 v6, v6  }
0x85: {  	s11 =	simm.s32 $0x20;
	v9 =	vsub.f32 v9, v15;
	v6 =	vld.idx.msk [tilespmem:v10+s31+$0x0], $0xffff  }
0x86: {  	v17 =	vor.u32 $0x6, v5;
	v14 =	vmov s11;
	v10 =	vld.idx.msk [tilespmem:v10+s0+$0x0], $0xffff;
	v3 =	vadd.f32 v4, v3  }
0x87: {  	v18 =	vor.u32 $0x7, v5;
	v9 =	vmul.f32 v9, v9;
	v4 =	vshll.u32 v14, $0x4;
	v14 =	vld.idx.msk [tilespmem:v12+s31+$0x0], $0xffff  }
0x88: {  	v12 =	vld.idx.msk [tilespmem:v12+s0+$0x0], $0xffff;
	v7 =	vsub.f32 v16, v7;
	v19 =	vshrl.u32 v3, $0x1;
	v20 =	vmul.f32 $5.000000000e-01, v3  }
0x89: {  	v4 =	vor.u32 v0, v4;
	v8 =	vsub.f32 v11, v8;
	v11 =	vld.idx.msk [tilespmem:v13+s0+$0x0], $0xffff;
	v15 =	vsub.s32 $0x5F3759DF, v19  }
0x8a: {  	v19 =	vld.idx.msk [tilespmem:v13+s31+$0x0], $0xffff;
	v7 =	vmul.f32 v7, v7;
	v21 =	vmul.f32 v15, v20  }
0x8b: {  	v2 =	vor.u32 $0x8, v2;
	v6 =	vsub.f32 v6, v10;
	v10 =	vld.idx.msk [tilespmem:v17+s31+$0x0], $0xffff  }
0x8c: {  	v7 =	vadd.f32 v7, v9;
	v9 =	vld.idx.msk [tilespmem:v17+s0+$0x0], $0xffff;
	v13 =	vmul.f32 v15, v21  }
0x8d: {  	v8 =	vmul.f32 v8, v8;
	v21 =	vld.idx.msk [tilespmem:v18+s31+$0x0], $0xffff  }
0x8e: {  	v17 =	vor.u32 $0x2, v4;
	v12 =	vsub.f32 v14, v12;
	v14 =	vld.idx.msk [tilespmem:v4+s31+$0x0], $0xffff;
	v13 =	vsub.f32 $1.500000000e+00, v13  }
0x8f: {  	v6 =	vmul.f32 v6, v6;
	v7 =	vadd.f32 v8, v7;
	v8 =	vld.idx.msk [tilespmem:v18+s0+$0x0], $0xffff  }
0x90: {  	v18 =	vor.u32 $0x1, v4;
	v11 =	vsub.f32 v19, v11;
	v19 =	vld.idx.msk [tilespmem:v2+s31+$0x0], $0xffff;
	v13 =	vmul.f32 v15, v13  }
0x91: {  	v6 =	vadd.f32 v6, v7;
	v7 =	vmul.f32 v12, v12;
	v15 =	vld.idx.msk [tilespmem:v4+s0+$0x0], $0xffff  }
0x92: {  	v12 =	vor.u32 $0x3, v4;
	v9 =	vsub.f32 v10, v9;
	v10 =	vld.idx.msk [tilespmem:v2+s0+$0x0], $0xffff;
	v20 =	vmul.f32 v13, v20  }
0x93: {  	v6 =	vadd.f32 v7, v6;
	v7 =	vmul.f32 v11, v11;
	v11 =	vld.idx.msk [tilespmem:v17+s31+$0x0], $0xffff  }
0x94: {  	v22 =	vor.u32 $0x4, v4;
	v17 =	vld.idx.msk [tilespmem:v17+s0+$0x0], $0xffff;
	v2 =	vmul.f32 v20, v13  }
0x95: {  	v8 =	vsub.f32 v21, v8;
	v6 =	vadd.f32 v7, v6;
	v7 =	vmul.f32 v9, v9;
	v9 =	vld.idx.msk [tilespmem:v18+s0+$0x0], $0xffff  }
0x96: {  	v20 =	vld.idx.msk [tilespmem:v18+s31+$0x0], $0xffff;
	v2 =	vsub.f32 $1.500000000e+00, v2  }
0x97: {  	v23 =	vor.u32 $0x5, v4;
	v8 =	vmul.f32 v8, v8;
	v18 =	vld.idx.msk [tilespmem:v12+s31+$0x0], $0xffff;
	v6 =	vadd.f32 v7, v6  }
0x98: {  	s21 =	simm.s32 $0x30;
	s16 =	simm.s32 $0xC80;
	v24 =	vor.u32 $0x6, v4;
	v12 =	vld.idx.msk [tilespmem:v12+s0+$0x0], $0xffff;
	v19 =	vadd.f32 v10, v19;
	v13 =	vmul.f32 v2, v13  }
0x99: {  	v16 =	vld [tilespmem:s16+$0x0];
	v7 =	vmov s21;
	v14 =	vsub.f32 v14, v15;
	v2 =	vadd.f32 v8, v6  }
0x9a: {  	v25 =	vld.idx.msk [tilespmem:v22+s0+$0x0], $0xffff;
	v21 =	vshll.u32 v7, $0x4;
	v7 =	vor.u32 $0x7, v4;
	v13 =	vmul.f32 v13, v3  }
0x9b: {  	v6 =	vld.idx.msk [tilespmem:v22+s31+$0x0], $0xffff;
	v9 =	vsub.f32 v20, v9;
	v3 =	vshrl.u32 v2, $0x1;
	v8 =	vmul.f32 $5.000000000e-01, v2  }
0x9c: {  	v20 =	vsub.f32 v11, v17;
	v11 =	vld.idx.msk [tilespmem:v23+s31+$0x0], $0xffff;
	v10 =	vsub.s32 $0x5F3759DF, v3;
	v15 =	vsub.f32 v19, v13  }
0x9d: {  	s11 =	simm.s32 $0xC90;
	v21 =	vor.u32 v0, v21;
	v17 =	vsub.f32 v18, v12;
	v12 =	vld.idx.msk [tilespmem:v24+s31+$0x0], $0xffff;
	v19 =	vmul.f32 v10, v8  }
0x9e: {  	v14 =	vmul.f32 v14, v14;
	v3 =	vld [tilespmem:s11+$0x0];
	v9 =	vmul.f32 v9, v9;
	v16 =	vsub.f32 v15, v16  }
0x9f: {  	v22 =	vor.u32 $0x8, v5;
	v13 =	vld.idx.msk [tilespmem:v23+s0+$0x0], $0xffff;
	v23 =	vmul.f32 v10, v19  }
0xa0: {  	v20 =	vmul.f32 v20, v20;
	v19 =	vadd.f32 v9, v14;
	v15 =	vld.idx.msk [tilespmem:v24+s0+$0x0], $0xffff;
	v9 =	vmul.f32 v16, v16  }
0xa1: {  	s5 =	simm.s32 $0x40;
	v5 =	vor.u32 $0x2, v21;
	v18 =	vsub.f32 v6, v25;
	v6 =	vmovc v21;
	v14 =	vld.idx.msk [tilespmem:v7+s31+$0x0], $0xffff;
	v16 =	vsub.f32 $1.500000000e+00, v23  }
.LBB2_3:
0xa2: {  	p1 =	sne.s32 s5, $0x180;
	v19 =	vadd.f32 v20, v19;
	v17 =	vmul.f32 v17, v17;
	v7 =	vld.idx.msk [tilespmem:v7+s0+$0x0], $0xffff;
	v1 =	vadd.f32 v9, v1  }
0xa3: {  	v20 =	vor.u32 $0x1, v6;
	v9 =	vld.idx.msk [tilespmem:v21+s31+$0x0], $0xffff;
	v10 =	vmul.f32 v10, v16  }
0xa4: {  	v18 =	vmul.f32 v18, v18;
	v11 =	vsub.f32 v11, v13;
	v16 =	vld.idx.msk [tilespmem:v21+s0+$0x0], $0xffff;
	v17 =	vadd.f32 v17, v19  }
0xa5: {  	v13 =	vor.u32 $0x3, v6;
	v19 =	vld.idx.msk [tilespmem:v22+s31+$0x0], $0xffff;
	v8 =	vmul.f32 v10, v8  }
0xa6: {  	v11 =	vmul.f32 v11, v11;
	v12 =	vsub.f32 v12, v15;
	v17 =	vadd.f32 v18, v17;
	v15 =	vld.idx.msk [tilespmem:v22+s0+$0x0], $0xffff  }
0xa7: {  	v21 =	vor.u32 $0x4, v6;
	v18 =	vld.idx.msk [tilespmem:v5+s31+$0x0], $0xffff;
	v8 =	vmul.f32 v8, v10  }
0xa8: {  	v12 =	vmul.f32 v12, v12;
	v7 =	vsub.f32 v14, v7;
	v22 =	vld.idx.msk [tilespmem:v20+s31+$0x0], $0xffff;
	v11 =	vadd.f32 v11, v17  }
0xa9: {  	v14 =	vld.idx.msk [tilespmem:v20+s0+$0x0], $0xffff;
	v8 =	vsub.f32 $1.500000000e+00, v8  }
0xaa: {  	v5 =	vld.idx.msk [tilespmem:v5+s0+$0x0], $0xffff;
	v11 =	vadd.f32 v12, v11;
	v12 =	vmul.f32 v7, v7  }
0xab: {  	v20 =	vor.u32 $0x5, v6;
	v7 =	vmov s5;
	v17 =	vld.idx.msk [tilespmem:v13+s31+$0x0], $0xffff;
	v8 =	vmul.f32 v8, v10  }
0xac: {  	v23 =	vshll.u32 v7, $0x4;
	v7 =	vor.u32 $0x7, v6;
	v24 =	vld.idx.msk [tilespmem:v13+s0+$0x0], $0xffff;
	v10 =	vadd.f32 v12, v11  }
0xad: {  	v26 =	vor.u32 $0x6, v6;
	v11 =	vadd.f32 v15, v19;
	v25 =	vld.idx.msk [tilespmem:v21+s31+$0x0], $0xffff;
	v12 =	vmul.f32 v8, v2  }
0xae: {  	s11 =	sadd.s32 $0x10, s11;
	v9 =	vsub.f32 v9, v16;
	v16 =	vld.idx.msk [tilespmem:v21+s0+$0x0], $0xffff;
	v13 =	vshrl.u32 v10, $0x1;
	v8 =	vmul.f32 $5.000000000e-01, v10;
	v2 =	vmovc v10  }
0xaf: {  	v14 =	vsub.f32 v22, v14;
	v10 =	vsub.s32 $0x5F3759DF, v13;
	v27 =	vld [tilespmem:s11+$0x0];
	v12 =	vsub.f32 v11, v12  }
.Ltmp0:
0xb0: {  	v21 =	vor.u32 v0, v23;
	v5 =	vsub.f32 v18, v5;
	v11 =	vld.idx.msk [tilespmem:v20+s31+$0x0], $0xffff;
	v15 =	vmul.f32 v10, v8;
	(pc) =	sbr.rel @p1 .LBB2_3-.Ltmp0, $4  }
0xb1: {  	v9 =	vmul.f32 v9, v9;
	v14 =	vmul.f32 v14, v14;
	v13 =	vld.idx.msk [tilespmem:v20+s0+$0x0], $0xffff;
	v28 =	vsub.f32 v12, v3  }
0xb2: {  	v22 =	vor.u32 $0x8, v4;
	v4 =	vmovc v6;
	v17 =	vsub.f32 v17, v24;
	v12 =	vld.idx.msk [tilespmem:v26+s31+$0x0], $0xffff;
	v23 =	vmul.f32 v10, v15  }
0xb3: {  	v20 =	vmul.f32 v5, v5;
	v19 =	vadd.f32 v14, v9;
	v15 =	vld.idx.msk [tilespmem:v26+s0+$0x0], $0xffff;
	v9 =	vmul.f32 v28, v28  }
0xb4: {  	s5 =	sadd.s32 $0x10, s5;
	v6 =	vmovc v21;
	v5 =	vor.u32 $0x2, v21;
	v18 =	vsub.f32 v25, v16;
	v14 =	vld.idx.msk [tilespmem:v7+s31+$0x0], $0xffff;
	v16 =	vsub.f32 $1.500000000e+00, v23;
	v3 =	vmovc v27  }
0xb5: {  	_ =	sdelay $0x3  }
0xb6: {  	v23 =	vld.idx.msk [tilespmem:v7+s0+$0x0], $0xffff  }
0xb7: {  	v24 =	vld.idx.msk [tilespmem:v21+s31+$0x0], $0xffff  }
0xb8: {  	v21 =	vld.idx.msk [tilespmem:v21+s0+$0x0], $0xffff  }
0xb9: {  	v7 =	vor.u32 $0x1, v6;
	v25 =	vld.idx.msk [tilespmem:v22+s31+$0x0], $0xffff  }
0xba: {  	v22 =	vld.idx.msk [tilespmem:v22+s0+$0x0], $0xffff  }
0xbb: {  	v26 =	vor.u32 $0x3, v6;
	v27 =	vld.idx.msk [tilespmem:v5+s31+$0x0], $0xffff  }
0xbc: {  	v31 =	vld.idx.msk [tilespmem:v5+s0+$0x0], $0xffff;
	s5 =	sadd.s32 $0x10, s11  }
0xbd: {  	v28 =	vor.u32 $0x4, v6;
	v5 =	vld [tilespmem:s5+$0x0]  }
0xbe: {  	v29 =	vld.idx.msk [tilespmem:v7+s31+$0x0], $0xffff  }
0xbf: {  	v34 =	vor.u32 $0x6, v6;
	v30 =	vld.idx.msk [tilespmem:v7+s0+$0x0], $0xffff  }
0xc0: {  	v32 =	vld.idx.msk [tilespmem:v26+s31+$0x0], $0xffff  }
0xc1: {  	v35 =	vor.u32 $0x7, v6;
	v26 =	vld.idx.msk [tilespmem:v26+s0+$0x0], $0xffff  }
0xc2: {  	v7 =	vor.u32 $0x5, v6;
	v33 =	vld.idx.msk [tilespmem:v28+s31+$0x0], $0xffff  }
0xc3: {  	v28 =	vld.idx.msk [tilespmem:v28+s0+$0x0], $0xffff  }
0xc4: {  	v38 =	vld.idx.msk [tilespmem:v34+s31+$0x0], $0xffff  }
0xc5: {  	v4 =	vor.u32 $0x8, v4;
	v34 =	vld.idx.msk [tilespmem:v34+s0+$0x0], $0xffff  }
0xc6: {  	v39 =	vld.idx.msk [tilespmem:v35+s31+$0x0], $0xffff  }
0xc7: {  	v36 =	vld.idx.msk [tilespmem:v7+s31+$0x0], $0xffff  }
0xc8: {  	v37 =	vld.idx.msk [tilespmem:v7+s0+$0x0], $0xffff;
	v7 =	vor.u32 $0x8, v6  }
0xc9: {  	v35 =	vld.idx.msk [tilespmem:v35+s0+$0x0], $0xffff  }
0xca: {  	v40 =	vld.idx.msk [tilespmem:v4+s31+$0x0], $0xffff  }
0xcb: {  	s5 =	sadd.s32 $0x10, s5;
	v41 =	vld.idx.msk [tilespmem:v4+s0+$0x0], $0xffff  }
0xcc: {  	v4 =	vld [tilespmem:s5+$0x0]  }
0xcd: {  	v6 =	vld.idx.msk [tilespmem:v7+s31+$0x0], $0xffff  }
0xce: {  	v7 =	vld.idx.msk [tilespmem:v7+s0+$0x0], $0xffff;
	_ =	swait.ge [sflag:s19], $0x1900  }
0xcf: {  	[sflag:s19] =	ssyncset.done $0x0  }
0xd0: {  	[sflag:s19] =	ssyncadd.s32 $0xFFFFE700  }
0xd1: {  	_ =	swait.ge [sflag:s19], $0x1900  }
0xd2: {  	[sflag:s19] =	ssyncset.done $0x0  }
0xd3: {  	v19 =	vadd.f32 v20, v19;
	v17 =	vmul.f32 v17, v17;
	[sflag:s19] =	ssyncadd.s32 $0xFFFFE700  }
0xd4: {  	_ =	swait.ge [sflag:s20], $0x190  }
0xd5: {  	v11 =	vsub.f32 v11, v13;
	v13 =	vmul.f32 v18, v18;
	v17 =	vadd.f32 v17, v19;
	[sflag:s20] =	ssyncset.done $0x0  }
0xd6: {  	s5 =	simm.s32 @!p0 $0x1;
	[sflag:s20] =	ssyncadd.s32 $0xFFFFFE70  }
0xd7: {  	v12 =	vsub.f32 v12, v15;
	v11 =	vmul.f32 v11, v11;
	v13 =	vadd.f32 v13, v17;
	_ =	swait.ge @!p0 [sflag:s5], $0x190  }
0xd8: {  	[sflag:s5] =	ssyncset.done @!p0 $0x0  }
0xd9: {  	v12 =	vmul.f32 v12, v12;
	v11 =	vadd.f32 v11, v13;
	v13 =	vsub.f32 v14, v23;
	[sflag:s5] =	ssyncadd.s32 @!p0 $0xFFFFFE70  }
0xda: {  	_ =	swait.ge @!p0 [sflag:s5], $0x190  }
0xdb: {  	s11 =	simm.s32 @!p0 $0x0;
	v11 =	vadd.f32 v12, v11;
	v12 =	vmul.f32 v13, v13;
	[sflag:s5] =	ssyncset.done @!p0 $0x0  }
0xdc: {  	s16 =	simm.s32 @!p0 $0x12C0;
	v13 =	vsub.f32 v24, v21;
	[sflag:s5] =	ssyncadd.s32 @!p0 $0xFFFFFE70;
	s5 =	simm.s32 @!p0 $0x190  }
0xdd: {  	v14 =	vsub.f32 v29, v30;
	v11 =	vadd.f32 v12, v11;
	[tilespmem:s16], [sflag:$0x5] =	stream.indirect.gather @!p0 [hbm4b:s7+s5], $0x10, s11, s5, $0xb8;
	[tilespmem:$0xDAD0] =	vst v63  }
0xde: {  	s21 =	simm.s32 @!p0 $0x76C0;
	v15 =	vmul.f32 v10, v16;
	v10 =	vsub.f32 v27, v31;
	v12 =	vmul.f32 v13, v13;
	s16 =	simm.s32 @!p0 $0x640  }
0xdf: {  	v13 =	vmul.f32 v14, v14;
	v14 =	vshrl.u32 v11, $0x1;
	v16 =	vmul.f32 $5.000000000e-01, v11;
	[tilespmem:s21], [sflag:$0x5] =	stream.indirect.gather @!p0 [hbm4b:s8+s5], $0x10, s16, s5, $0xb8;
	[tilespmem:$0xDAD0] =	vst v63  }
0xe0: {  	s10 =	sadd.s32 @!p0 s4, s10;
	v14 =	vsub.s32 $0x5F3759DF, v14;
	s16 =	simm.s32 @!p0 $0xC80;
	s21 =	simm.s32 $0x0  }
0xe1: {  	v10 =	vmul.f32 v10, v10;
	v12 =	vadd.f32 v13, v12;
	v13 =	vmul.f32 v14, v16;
	[tilespmem:s16], [sflag:$0x9] =	stream.linear.gather @!p0 [hbm4b:s10+s11], $0x190, $0x38;
	[tilespmem:$0xDAD0] =	vst v63  }
0xe2: {  	v8 =	vmul.f32 v15, v8;
	v17 =	vsub.f32 v32, v26;
	v18 =	vmov s21;
	s10 =	sadd.s32 @!p0 $0x7D0, s18  }
0xe3: {  	v12 =	vadd.f32 v10, v12;
	v13 =	vmul.f32 v14, v13;
	v10 =	vshll.u32 v18, $0x4;
	s16 =	sadd.s32 @!p0 s6, s10  }
0xe4: {  	v8 =	vmul.f32 v8, v15;
	v17 =	vmul.f32 v17, v17;
	v10 =	vor.u32 v0, v10;
	s16 =	sshrl.u32 @!p0 s16, $0x3  }
0xe5: {  	v13 =	vsub.f32 $1.500000000e+00, v13;
	v18 =	vsub.f32 v33, v28;
	s21 =	sadd.s32 @!p0 s1, s16  }
0xe6: {  	v8 =	vsub.f32 $1.500000000e+00, v8;
	v12 =	vadd.f32 v17, v12;
	v17 =	vor.u32 $0x2, v10;
	[tilespmem:s5], [sflag:$0x2] =	stream.linear.gather @!p0 [hbm4b:s21+s11], $0x190, $0x38;
	[tilespmem:$0xDAD0] =	vst v63  }
0xe7: {  	v13 =	vmul.f32 v14, v13;
	v18 =	vmul.f32 v18, v18;
	v20 =	vor.u32 $0x1, v10;
	s5 =	sadd.s32 @!p0 s3, s16;
	s16 =	simm.s32 @!p0 $0x7D0  }
0xe8: {  	v8 =	vmul.f32 v8, v15;
	v19 =	vsub.f32 v36, v37;
	[tilespmem:s16], [sflag:$0x2] =	stream.linear.gather @!p0 [hbm4b:s5+s11], $0x190, $0x38;
	[tilespmem:$0xDAD0] =	vst v63  }
0xe9: {  	v15 =	vsub.f32 v38, v34;
	v16 =	vmul.f32 v13, v16;
	v12 =	vadd.f32 v18, v12;
	v18 =	vld.idx.msk [tilespmem:v10+s24+$0x0], $0xffff  }
0xea: {  	v14 =	vmul.f32 v19, v19;
	v19 =	vadd.f32 v22, v25;
	v22 =	vor.u32 $0x3, v10;
	v21 =	vld.idx.msk [tilespmem:v10+s26+$0x0], $0xffff  }
0xeb: {  	v2 =	vmul.f32 v8, v2;
	v8 =	vmul.f32 v16, v13;
	v23 =	vld.idx.msk [tilespmem:v17+s24+$0x0], $0xffff  }
0xec: {  	v12 =	vadd.f32 v14, v12;
	v14 =	vmul.f32 v15, v15;
	v15 =	vsub.f32 v39, v35;
	v55 =	vld.idx.msk [tilespmem:v20+s24+$0x0], $0xffff  }
0xed: {  	v2 =	vsub.f32 v19, v2;
	v8 =	vsub.f32 $1.500000000e+00, v8;
	v16 =	vor.u32 $0x4, v10;
	v17 =	vld.idx.msk [tilespmem:v17+s26+$0x0], $0xffff  }
0xee: {  	v12 =	vadd.f32 v14, v12;
	v14 =	vmul.f32 v15, v15;
	v15 =	vld.idx.msk [tilespmem:v20+s26+$0x0], $0xffff  }
0xef: {  	v2 =	vsub.f32 v2, v3;
	v3 =	vmul.f32 v8, v13;
	v8 =	vld.idx.msk [tilespmem:v22+s26+$0x0], $0xffff  }
0xf0: {  	v19 =	vor.u32 $0x5, v10;
	v12 =	vadd.f32 v14, v12;
	v14 =	vld.idx.msk [tilespmem:v22+s24+$0x0], $0xffff  }
0xf1: {  	v1 =	vadd.f32 v9, v1;
	v57 =	vor.u32 $0x7, v10;
	v22 =	vor.u32 $0x6, v10  }
0xf2: {  	s21 =	simm.s32 $0x10;
	v20 =	vld.idx.msk [tilespmem:v16+s24+$0x0], $0xffff;
	v13 =	vshrl.u32 v12, $0x1;
	v56 =	vmul.f32 $5.000000000e-01, v12;
	v18 =	vsub.f32 v18, v21  }
0xf3: {  	v16 =	vld.idx.msk [tilespmem:v16+s26+$0x0], $0xffff;
	v21 =	vmov s21;
	v15 =	vsub.f32 v55, v15;
	v13 =	vsub.s32 $0x5F3759DF, v13  }
0xf4: {  	v17 =	vsub.f32 v23, v17;
	v18 =	vmul.f32 v18, v18;
	v58 =	vmul.f32 v13, v56  }
0xf5: {  	v23 =	vld.idx.msk [tilespmem:v19+s24+$0x0], $0xffff;
	v15 =	vmul.f32 v15, v15;
	v14 =	vsub.f32 v14, v8;
	v8 =	vshll.u32 v21, $0x4  }
0xf6: {  	v9 =	vadd.f32 v41, v40;
	v19 =	vld.idx.msk [tilespmem:v19+s26+$0x0], $0xffff;
	v8 =	vor.u32 v0, v8;
	v21 =	vmul.f32 v13, v58  }
0xf7: {  	v3 =	vmul.f32 v3, v11;
	v17 =	vmul.f32 v17, v17;
	v15 =	vadd.f32 v15, v18;
	v18 =	vld.idx.msk [tilespmem:v22+s24+$0x0], $0xffff  }
0xf8: {  	v16 =	vsub.f32 v20, v16;
	v22 =	vld.idx.msk [tilespmem:v22+s26+$0x0], $0xffff;
	v59 =	vor.u32 $0x1, v8;
	v11 =	vsub.f32 $1.500000000e+00, v21  }
0xf9: {  	v20 =	vor.u32 $0x2, v8;
	v14 =	vmul.f32 v14, v14;
	v21 =	vld.idx.msk [tilespmem:v57+s26+$0x0], $0xffff;
	v15 =	vadd.f32 v17, v15  }
0xfa: {  	v2 =	vmul.f32 v2, v2;
	v3 =	vsub.f32 v9, v3;
	v17 =	vld.idx.msk [tilespmem:v57+s24+$0x0], $0xffff;
	v9 =	vmul.f32 v13, v11  }
0xfb: {  	v14 =	vadd.f32 v14, v15;
	v15 =	vmul.f32 v16, v16;
	v16 =	vsub.f32 v23, v19;
	v11 =	vld.idx.msk [tilespmem:v8+s24+$0x0], $0xffff  }
0xfc: {  	v3 =	vsub.f32 v3, v5;
	v13 =	vor.u32 $0x3, v8;
	v19 =	vld.idx.msk [tilespmem:v8+s26+$0x0], $0xffff;
	v5 =	vmul.f32 v9, v56  }
0xfd: {  	v23 =	vld.idx.msk [tilespmem:v59+s24+$0x0], $0xffff;
	v14 =	vadd.f32 v15, v14;
	v15 =	vmul.f32 v16, v16;
	v16 =	vsub.f32 v18, v22  }
0xfe: {  	v1 =	vadd.f32 v2, v1;
	v18 =	vld.idx.msk [tilespmem:v20+s24+$0x0], $0xffff;
	v22 =	vor.u32 $0x4, v8;
	v2 =	vmul.f32 v5, v9  }
0xff: {  	v5 =	vld.idx.msk [tilespmem:v59+s26+$0x0], $0xffff;
	v14 =	vadd.f32 v15, v14;
	v15 =	vmul.f32 v16, v16;
	v16 =	vsub.f32 v17, v21  }
0x100: {  	v3 =	vmul.f32 v3, v3;
	v17 =	vld.idx.msk [tilespmem:v20+s26+$0x0], $0xffff;
	v20 =	vor.u32 $0x5, v8  }
0x101: {  	v2 =	vsub.f32 $1.500000000e+00, v2;
	v14 =	vadd.f32 v15, v14;
	v15 =	vmul.f32 v16, v16  }
0x102: {  	v1 =	vadd.f32 v3, v1;
	s11 =	simm.s32 $0x20;
	v3 =	vld.idx.msk [tilespmem:v13+s26+$0x0], $0xffff;
	v21 =	vor.u32 $0x7, v8;
	v11 =	vsub.f32 v11, v19  }
0x103: {  	v16 =	vld.idx.msk [tilespmem:v13+s24+$0x0], $0xffff;
	v2 =	vmul.f32 v2, v9;
	v9 =	vmov s11;
	v13 =	vadd.f32 v15, v14  }
0x104: {  	v11 =	vmul.f32 v11, v11;
	v14 =	vld.idx.msk [tilespmem:v22+s24+$0x0], $0xffff;
	v15 =	vor.u32 $0x6, v8;
	v19 =	vsub.f32 v23, v5  }
0x105: {  	v22 =	vld.idx.msk [tilespmem:v22+s26+$0x0], $0xffff;
	v5 =	vshll.u32 v9, $0x4;
	v60 =	vshrl.u32 v13, $0x1;
	v61 =	vmul.f32 $5.000000000e-01, v13  }
0x106: {  	v9 =	vsub.f32 v18, v17;
	v17 =	vld.idx.msk [tilespmem:v20+s24+$0x0], $0xffff;
	v19 =	vmul.f32 v19, v19;
	v23 =	vsub.s32 $0x5F3759DF, v60  }
0x107: {  	v6 =	vadd.f32 v7, v6;
	v5 =	vor.u32 v0, v5;
	v20 =	vld.idx.msk [tilespmem:v20+s26+$0x0], $0xffff;
	v18 =	vmul.f32 v23, v61  }
0x108: {  	v3 =	vsub.f32 v16, v3;
	v9 =	vmul.f32 v9, v9;
	v11 =	vadd.f32 v19, v11  }
0x109: {  	v10 =	vor.u32 $0x8, v10;
	v2 =	vmul.f32 v2, v12;
	v7 =	vld.idx.msk [tilespmem:v15+s24+$0x0], $0xffff;
	v16 =	vmul.f32 v23, v18  }
0x10a: {  	v15 =	vld.idx.msk [tilespmem:v15+s26+$0x0], $0xffff;
	v12 =	vsub.f32 v14, v22;
	v3 =	vmul.f32 v3, v3;
	v9 =	vadd.f32 v9, v11  }
0x10b: {  	v2 =	vsub.f32 v6, v2;
	v6 =	vor.u32 $0x1, v5;
	v14 =	vld.idx.msk [tilespmem:v21+s24+$0x0], $0xffff;
	v16 =	vsub.f32 $1.500000000e+00, v16  }
0x10c: {  	v11 =	vld.idx.msk [tilespmem:v21+s26+$0x0], $0xffff;
	v3 =	vadd.f32 v3, v9;
	v9 =	vmul.f32 v12, v12;
	v12 =	vsub.f32 v17, v20  }
0x10d: {  	v18 =	vor.u32 $0x2, v5;
	v19 =	vld.idx.msk [tilespmem:v5+s24+$0x0], $0xffff;
	v16 =	vmul.f32 v23, v16  }
0x10e: {  	v2 =	vsub.f32 v2, v4;
	v21 =	vld.idx.msk [tilespmem:v5+s26+$0x0], $0xffff;
	v3 =	vadd.f32 v9, v3;
	v9 =	vmul.f32 v12, v12  }
0x10f: {  	v17 =	vld.idx.msk [tilespmem:v10+s24+$0x0], $0xffff;
	v7 =	vsub.f32 v7, v15;
	v20 =	vmul.f32 v16, v61  }
0x110: {  	v4 =	vor.u32 $0x3, v5;
	v2 =	vmul.f32 v2, v2;
	v10 =	vld.idx.msk [tilespmem:v10+s26+$0x0], $0xffff;
	v3 =	vadd.f32 v9, v3  }
0x111: {  	v22 =	vld.idx.msk [tilespmem:v6+s24+$0x0], $0xffff;
	v7 =	vmul.f32 v7, v7;
	v9 =	vsub.f32 v14, v11;
	v20 =	vmul.f32 v20, v16  }
0x112: {  	v1 =	vadd.f32 v2, v1;
	v15 =	vor.u32 $0x4, v5;
	v12 =	vld.idx.msk [tilespmem:v18+s24+$0x0], $0xffff  }
0x113: {  	v11 =	vld.idx.msk [tilespmem:v6+s26+$0x0], $0xffff;
	v2 =	vadd.f32 v7, v3;
	v3 =	vmul.f32 v9, v9;
	v6 =	vsub.f32 $1.500000000e+00, v20  }
0x114: {  	v14 =	vld.idx.msk [tilespmem:v18+s26+$0x0], $0xffff  }
0x115: {  	s21 =	simm.s32 $0x30;
	v18 =	vld.idx.msk [tilespmem:v4+s24+$0x0], $0xffff;
	v10 =	vadd.f32 v10, v17;
	v2 =	vadd.f32 v3, v2;
	v9 =	vmul.f32 v6, v16  }
0x116: {  	s16 =	simm.s32 $0xE10;
	v4 =	vld.idx.msk [tilespmem:v4+s26+$0x0], $0xffff;
	v17 =	vsub.f32 v19, v21;
	v7 =	vmov s21;
	v20 =	vor.u32 $0x5, v5  }
0x117: {  	v62 =	vld [tilespmem:s16+$0x0];
	v3 =	vshrl.u32 v2, $0x1;
	v13 =	vmul.f32 v9, v13;
	v9 =	vmul.f32 $5.000000000e-01, v2  }
0x118: {  	v23 =	vld.idx.msk [tilespmem:v15+s24+$0x0], $0xffff;
	v19 =	vsub.f32 v22, v11;
	v16 =	vor.u32 $0x6, v5;
	v11 =	vsub.s32 $0x5F3759DF, v3  }
0x119: {  	s11 =	simm.s32 $0xE20;
	v7 =	vshll.u32 v7, $0x4;
	v15 =	vld.idx.msk [tilespmem:v15+s26+$0x0], $0xffff;
	v63 =	vmul.f32 v11, v9  }
0x11a: {  	v17 =	vmul.f32 v17, v17;
	v6 =	vor.u32 $0x7, v5;
	v3 =	vld [tilespmem:s11+$0x0];
	v10 =	vsub.f32 v10, v13  }
0x11b: {  	v21 =	vsub.f32 v12, v14;
	v18 =	vsub.f32 v18, v4;
	v12 =	vld.idx.msk [tilespmem:v20+s24+$0x0], $0xffff;
	v4 =	vmul.f32 v11, v63  }
0x11c: {  	v7 =	vor.u32 v0, v7;
	v19 =	vmul.f32 v19, v19;
	v14 =	vld.idx.msk [tilespmem:v20+s26+$0x0], $0xffff;
	v10 =	vsub.f32 v10, v62  }
0x11d: {  	v22 =	vor.u32 $0x8, v8;
	v13 =	vld.idx.msk [tilespmem:v16+s24+$0x0], $0xffff  }
0x11e: {  	v21 =	vmul.f32 v21, v21;
	v20 =	vadd.f32 v19, v17;
	v16 =	vld.idx.msk [tilespmem:v16+s26+$0x0], $0xffff;
	v10 =	vmul.f32 v10, v10  }
0x11f: {  	s10 =	simm.s32 @p0 $0x30ED0;
	s5 =	simm.s32 $0x40;
	v8 =	vor.u32 $0x2, v7;
	v19 =	vsub.f32 v23, v15;
	v15 =	vld.idx.msk [tilespmem:v6+s24+$0x0], $0xffff;
	v17 =	vsub.f32 $1.500000000e+00, v4;
	v4 =	vmovc v7  }
.LBB2_5:
0x120: {  	p1 =	sne.s32 s5, $0x180;
	v20 =	vadd.f32 v21, v20;
	v18 =	vmul.f32 v18, v18;
	v6 =	vld.idx.msk [tilespmem:v6+s26+$0x0], $0xffff;
	v1 =	vadd.f32 v10, v1  }
0x121: {  	v21 =	vor.u32 $0x1, v4;
	v10 =	vld.idx.msk [tilespmem:v7+s24+$0x0], $0xffff;
	v11 =	vmul.f32 v11, v17  }
0x122: {  	v12 =	vsub.f32 v12, v14;
	v7 =	vld.idx.msk [tilespmem:v7+s26+$0x0], $0xffff;
	v17 =	vadd.f32 v18, v20;
	v18 =	vmul.f32 v19, v19  }
0x123: {  	v14 =	vor.u32 $0x3, v4;
	v19 =	vld.idx.msk [tilespmem:v22+s24+$0x0], $0xffff;
	v9 =	vmul.f32 v11, v9  }
0x124: {  	v12 =	vmul.f32 v12, v12;
	v13 =	vsub.f32 v13, v16;
	v17 =	vadd.f32 v18, v17;
	v16 =	vld.idx.msk [tilespmem:v22+s26+$0x0], $0xffff  }
0x125: {  	v20 =	vor.u32 $0x4, v4;
	v18 =	vld.idx.msk [tilespmem:v8+s24+$0x0], $0xffff;
	v9 =	vmul.f32 v9, v11  }
0x126: {  	v13 =	vmul.f32 v13, v13;
	v6 =	vsub.f32 v15, v6;
	v22 =	vld.idx.msk [tilespmem:v21+s24+$0x0], $0xffff;
	v12 =	vadd.f32 v12, v17  }
0x127: {  	v15 =	vld.idx.msk [tilespmem:v21+s26+$0x0], $0xffff;
	v9 =	vsub.f32 $1.500000000e+00, v9  }
0x128: {  	v8 =	vld.idx.msk [tilespmem:v8+s26+$0x0], $0xffff;
	v12 =	vadd.f32 v13, v12;
	v13 =	vmul.f32 v6, v6  }
0x129: {  	v21 =	vor.u32 $0x5, v4;
	v6 =	vmov s5;
	v17 =	vld.idx.msk [tilespmem:v14+s24+$0x0], $0xffff;
	v9 =	vmul.f32 v9, v11  }
0x12a: {  	v23 =	vshll.u32 v6, $0x4;
	v6 =	vor.u32 $0x7, v4;
	v24 =	vld.idx.msk [tilespmem:v14+s26+$0x0], $0xffff;
	v11 =	vadd.f32 v13, v12  }
0x12b: {  	v26 =	vor.u32 $0x6, v4;
	v12 =	vadd.f32 v16, v19;
	v25 =	vld.idx.msk [tilespmem:v20+s24+$0x0], $0xffff;
	v13 =	vmul.f32 v9, v2  }
0x12c: {  	s11 =	sadd.s32 $0x10, s11;
	v10 =	vsub.f32 v10, v7;
	v19 =	vld.idx.msk [tilespmem:v20+s26+$0x0], $0xffff;
	v7 =	vshrl.u32 v11, $0x1;
	v9 =	vmul.f32 $5.000000000e-01, v11;
	v2 =	vmovc v11  }
0x12d: {  	v14 =	vsub.f32 v22, v15;
	v11 =	vsub.s32 $0x5F3759DF, v7;
	v27 =	vld [tilespmem:s11+$0x0];
	v13 =	vsub.f32 v12, v13  }
.Ltmp1:
0x12e: {  	v7 =	vor.u32 v0, v23;
	v8 =	vsub.f32 v18, v8;
	v12 =	vld.idx.msk [tilespmem:v21+s24+$0x0], $0xffff;
	v15 =	vmul.f32 v11, v9;
	(pc) =	sbr.rel @p1 .LBB2_5-.Ltmp1, $4  }
0x12f: {  	v10 =	vmul.f32 v10, v10;
	v16 =	vmul.f32 v14, v14;
	v14 =	vld.idx.msk [tilespmem:v21+s26+$0x0], $0xffff;
	v23 =	vsub.f32 v13, v3  }
0x130: {  	v22 =	vor.u32 $0x8, v5;
	v5 =	vmovc v4;
	v18 =	vsub.f32 v17, v24;
	v13 =	vld.idx.msk [tilespmem:v26+s24+$0x0], $0xffff;
	v17 =	vmul.f32 v11, v15  }
0x131: {  	v21 =	vmul.f32 v8, v8;
	v20 =	vadd.f32 v16, v10;
	v16 =	vld.idx.msk [tilespmem:v26+s26+$0x0], $0xffff;
	v10 =	vmul.f32 v23, v23  }
0x132: {  	s5 =	sadd.s32 $0x10, s5;
	v4 =	vmovc v7;
	v8 =	vor.u32 $0x2, v7;
	v19 =	vsub.f32 v25, v19;
	v15 =	vld.idx.msk [tilespmem:v6+s24+$0x0], $0xffff;
	v17 =	vsub.f32 $1.500000000e+00, v17;
	v3 =	vmovc v27  }
0x133: {  	_ =	sdelay $0x3  }
0x134: {  	v23 =	vld.idx.msk [tilespmem:v6+s26+$0x0], $0xffff  }
0x135: {  	v24 =	vld.idx.msk [tilespmem:v7+s24+$0x0], $0xffff  }
0x136: {  	v25 =	vld.idx.msk [tilespmem:v7+s26+$0x0], $0xffff  }
0x137: {  	v6 =	vor.u32 $0x1, v4;
	v26 =	vld.idx.msk [tilespmem:v22+s24+$0x0], $0xffff  }
0x138: {  	v22 =	vld.idx.msk [tilespmem:v22+s26+$0x0], $0xffff  }
0x139: {  	v7 =	vor.u32 $0x3, v4;
	v27 =	vld.idx.msk [tilespmem:v8+s24+$0x0], $0xffff  }
0x13a: {  	v31 =	vld.idx.msk [tilespmem:v8+s26+$0x0], $0xffff;
	s5 =	sadd.s32 $0x10, s11  }
0x13b: {  	v28 =	vor.u32 $0x4, v4;
	v8 =	vld [tilespmem:s5+$0x0]  }
0x13c: {  	v29 =	vld.idx.msk [tilespmem:v6+s24+$0x0], $0xffff  }
0x13d: {  	v35 =	vor.u32 $0x7, v4;
	v30 =	vld.idx.msk [tilespmem:v6+s26+$0x0], $0xffff  }
0x13e: {  	v32 =	vld.idx.msk [tilespmem:v7+s24+$0x0], $0xffff  }
0x13f: {  	v5 =	vor.u32 $0x8, v5;
	v33 =	vld.idx.msk [tilespmem:v7+s26+$0x0], $0xffff  }
0x140: {  	v34 =	vld.idx.msk [tilespmem:v28+s24+$0x0], $0xffff;
	v7 =	vor.u32 $0x6, v4  }
0x141: {  	v28 =	vld.idx.msk [tilespmem:v28+s26+$0x0], $0xffff  }
0x142: {  	v40 =	vld.idx.msk [tilespmem:v35+s24+$0x0], $0xffff  }
0x143: {  	v6 =	vor.u32 $0x5, v4;
	v35 =	vld.idx.msk [tilespmem:v35+s26+$0x0], $0xffff  }
0x144: {  	v41 =	vld.idx.msk [tilespmem:v5+s24+$0x0], $0xffff  }
0x145: {  	v38 =	vld.idx.msk [tilespmem:v7+s24+$0x0], $0xffff  }
0x146: {  	v39 =	vld.idx.msk [tilespmem:v7+s26+$0x0], $0xffff;
	v7 =	vor.u32 $0x8, v4  }
0x147: {  	v5 =	vld.idx.msk [tilespmem:v5+s26+$0x0], $0xffff  }
0x148: {  	v36 =	vld.idx.msk [tilespmem:v6+s24+$0x0], $0xffff  }
0x149: {  	s5 =	sadd.s32 $0x10, s5;
	v37 =	vld.idx.msk [tilespmem:v6+s26+$0x0], $0xffff  }
0x14a: {  	v4 =	vld [tilespmem:s5+$0x0]  }
0x14b: {  	v6 =	vld.idx.msk [tilespmem:v7+s24+$0x0], $0xffff  }
0x14c: {  	v7 =	vld.idx.msk [tilespmem:v7+s26+$0x0], $0xffff;
	_ =	swait.ge [sflag:s22], $0x1900  }
0x14d: {  	[sflag:s22] =	ssyncset.done $0x0  }
0x14e: {  	[sflag:s22] =	ssyncadd.s32 $0xFFFFE700  }
0x14f: {  	_ =	swait.ge [sflag:s22], $0x1900  }
0x150: {  	[sflag:s22] =	ssyncset.done $0x0  }
0x151: {  	[sflag:s22] =	ssyncadd.s32 $0xFFFFE700  }
0x152: {  	_ =	swait.ge [sflag:s23], $0x190  }
0x153: {  	[sflag:s23] =	ssyncset.done $0x0  }
0x154: {  	v20 =	vadd.f32 v21, v20;
	v18 =	vmul.f32 v18, v18;
	s5 =	simm.s32 @!p0 $0x2;
	[sflag:s23] =	ssyncadd.s32 $0xFFFFFE70  }
0x155: {  	_ =	swait.ge @!p0 [sflag:s5], $0x190  }
0x156: {  	v12 =	vsub.f32 v12, v14;
	v14 =	vmul.f32 v19, v19;
	v18 =	vadd.f32 v18, v20;
	[sflag:s5] =	ssyncset.done @!p0 $0x0  }
0x157: {  	[sflag:s5] =	ssyncadd.s32 @!p0 $0xFFFFFE70  }
0x158: {  	v13 =	vsub.f32 v13, v16;
	v12 =	vmul.f32 v12, v12;
	v14 =	vadd.f32 v14, v18;
	_ =	swait.ge @!p0 [sflag:s5], $0x190  }
0x159: {  	[sflag:s5] =	ssyncset.done @!p0 $0x0  }
0x15a: {  	s11 =	simm.s32 @!p0 $0x2BC0;
	v13 =	vmul.f32 v13, v13;
	v12 =	vadd.f32 v12, v14;
	v14 =	vsub.f32 v15, v23;
	[sflag:s5] =	ssyncadd.s32 @!p0 $0xFFFFFE70;
	s5 =	simm.s32 @!p0 $0x190  }
0x15b: {  	[tilespmem:s11], [sflag:$0x6] =	stream.indirect.gather @!p0 [hbm4b:s7+s5], $0x10, s5, s5, $0xb8;
	[tilespmem:$0xDAD0] =	vst v63  }
0x15c: {  	s16 =	simm.s32 @!p0 $0x8FC0;
	v11 =	vmul.f32 v11, v17;
	v12 =	vadd.f32 v13, v12;
	v13 =	vmul.f32 v14, v14;
	s11 =	simm.s32 @!p0 $0x7D0  }
0x15d: {  	v14 =	vsub.f32 v24, v25;
	v15 =	vsub.f32 v29, v30;
	[tilespmem:s16], [sflag:$0x6] =	stream.indirect.gather @!p0 [hbm4b:s8+s5], $0x10, s11, s5, $0xb8;
	[tilespmem:$0xDAD0] =	vst v63  }
0x15e: {  	v9 =	vmul.f32 v11, v9;
	v12 =	vadd.f32 v13, v12;
	s5 =	sadd.s32 @!p0 s6, s10  }
0x15f: {  	v13 =	vsub.f32 v27, v31;
	v14 =	vmul.f32 v14, v14;
	v15 =	vmul.f32 v15, v15;
	s11 =	simm.s32 @!p0 $0x0;
	s5 =	sshrl.u32 @!p0 s5, $0x3  }
0x160: {  	v18 =	vsub.f32 v32, v33;
	v16 =	vshrl.u32 v12, $0x1;
	v17 =	vmul.f32 $5.000000000e-01, v12;
	s10 =	simm.s32 @!p0 $0xE10;
	s16 =	simm.s32 $0x0;
	s5 =	sadd.s32 @!p0 s4, s5  }
0x161: {  	v13 =	vmul.f32 v13, v13;
	v16 =	vsub.s32 $0x5F3759DF, v16;
	v14 =	vadd.f32 v15, v14;
	[tilespmem:s10], [sflag:$0xA] =	stream.linear.gather @!p0 [hbm4b:s5+s11], $0x190, $0x38;
	[tilespmem:$0xDAD0] =	vst v63  }
0x162: {  	v18 =	vmul.f32 v18, v18;
	v15 =	vmul.f32 v16, v17;
	v19 =	vmov s16;
	s10 =	sadd.s32 @!p0 $0x960, s18  }
0x163: {  	v13 =	vadd.f32 v13, v14;
	v14 =	vmul.f32 v9, v11;
	v9 =	vshll.u32 v19, $0x4;
	s5 =	sadd.s32 @!p0 s6, s10  }
0x164: {  	v20 =	vsub.f32 v36, v37;
	v15 =	vmul.f32 v16, v15;
	v9 =	vor.u32 v0, v9;
	s5 =	sshrl.u32 @!p0 s5, $0x3  }
0x165: {  	s21 =	simm.s32 @!p0 $0x320;
	v14 =	vsub.f32 $1.500000000e+00, v14;
	v19 =	vsub.f32 v34, v28;
	s16 =	sadd.s32 @!p0 s1, s5  }
0x166: {  	v15 =	vsub.f32 $1.500000000e+00, v15;
	v13 =	vadd.f32 v18, v13;
	v18 =	vor.u32 $0x2, v9;
	[tilespmem:s21], [sflag:$0x3] =	stream.linear.gather @!p0 [hbm4b:s16+s11], $0x190, $0x38;
	[tilespmem:$0xDAD0] =	vst v63  }
0x167: {  	v11 =	vmul.f32 v14, v11;
	v19 =	vmul.f32 v19, v19;
	v21 =	vor.u32 $0x1, v9;
	s5 =	sadd.s32 @!p0 s3, s5;
	s16 =	simm.s32 @!p0 $0x960  }
0x168: {  	v14 =	vmul.f32 v16, v15;
	v15 =	vmul.f32 v20, v20;
	[tilespmem:s16], [sflag:$0x3] =	stream.linear.gather @!p0 [hbm4b:s5+s11], $0x190, $0x38;
	[tilespmem:$0xDAD0] =	vst v63  }
0x169: {  	v16 =	vsub.f32 v38, v39;
	v23 =	vor.u32 $0x3, v9;
	v13 =	vadd.f32 v19, v13;
	v19 =	vld.idx.msk [tilespmem:v9+s29+$0x0], $0xffff  }
0x16a: {  	v20 =	vadd.f32 v22, v26;
	v17 =	vmul.f32 v14, v17;
	v22 =	vld.idx.msk [tilespmem:v9+s9+$0x0], $0xffff  }
0x16b: {  	v13 =	vadd.f32 v15, v13;
	v15 =	vmul.f32 v16, v16;
	v16 =	vsub.f32 v40, v35;
	v53 =	vld.idx.msk [tilespmem:v18+s29+$0x0], $0xffff  }
0x16c: {  	v1 =	vadd.f32 v10, v1;
	v2 =	vmul.f32 v11, v2;
	v11 =	vmul.f32 v17, v14;
	v54 =	vld.idx.msk [tilespmem:v21+s29+$0x0], $0xffff  }
0x16d: {  	v17 =	vor.u32 $0x4, v9;
	v13 =	vadd.f32 v15, v13;
	v15 =	vmul.f32 v16, v16;
	v16 =	vld.idx.msk [tilespmem:v21+s9+$0x0], $0xffff  }
0x16e: {  	v2 =	vsub.f32 v20, v2;
	v11 =	vsub.f32 $1.500000000e+00, v11;
	v10 =	vld.idx.msk [tilespmem:v23+s9+$0x0], $0xffff  }
0x16f: {  	v20 =	vor.u32 $0x5, v9;
	v13 =	vadd.f32 v15, v13;
	v15 =	vld.idx.msk [tilespmem:v23+s29+$0x0], $0xffff  }
0x170: {  	v2 =	vsub.f32 v2, v3;
	v3 =	vmul.f32 v11, v14;
	v18 =	vld.idx.msk [tilespmem:v18+s9+$0x0], $0xffff;
	v21 =	vor.u32 $0x6, v9  }
0x171: {  	v11 =	vshrl.u32 v13, $0x1;
	v23 =	vmul.f32 $5.000000000e-01, v13;
	v19 =	vsub.f32 v19, v22  }
0x172: {  	v55 =	vor.u32 $0x7, v9;
	s21 =	simm.s32 $0x10;
	v14 =	vld.idx.msk [tilespmem:v17+s29+$0x0], $0xffff;
	v16 =	vsub.f32 v54, v16;
	v11 =	vsub.s32 $0x5F3759DF, v11  }
0x173: {  	v17 =	vld.idx.msk [tilespmem:v17+s9+$0x0], $0xffff;
	v22 =	vmov s21;
	v57 =	vmul.f32 v11, v23;
	v19 =	vmul.f32 v19, v19  }
0x174: {  	v56 =	vld.idx.msk [tilespmem:v20+s29+$0x0], $0xffff;
	v16 =	vmul.f32 v16, v16;
	v15 =	vsub.f32 v15, v10;
	v10 =	vshll.u32 v22, $0x4  }
0x175: {  	v5 =	vadd.f32 v5, v41;
	v20 =	vld.idx.msk [tilespmem:v20+s9+$0x0], $0xffff;
	v18 =	vsub.f32 v53, v18;
	v10 =	vor.u32 v0, v10  }
0x176: {  	v2 =	vmul.f32 v2, v2;
	v22 =	vmul.f32 v11, v57;
	v16 =	vadd.f32 v16, v19;
	v19 =	vld.idx.msk [tilespmem:v21+s29+$0x0], $0xffff  }
0x177: {  	v3 =	vmul.f32 v3, v12;
	v18 =	vmul.f32 v18, v18;
	v21 =	vld.idx.msk [tilespmem:v21+s9+$0x0], $0xffff;
	v58 =	vor.u32 $0x1, v10  }
0x178: {  	v14 =	vsub.f32 v14, v17;
	v17 =	vor.u32 $0x2, v10;
	v12 =	vsub.f32 $1.500000000e+00, v22;
	v22 =	vld.idx.msk [tilespmem:v55+s9+$0x0], $0xffff  }
0x179: {  	v15 =	vmul.f32 v15, v15;
	v16 =	vadd.f32 v18, v16;
	v18 =	vld.idx.msk [tilespmem:v55+s29+$0x0], $0xffff  }
0x17a: {  	v1 =	vadd.f32 v2, v1;
	v3 =	vsub.f32 v5, v3;
	v5 =	vmul.f32 v11, v12;
	v11 =	vld.idx.msk [tilespmem:v10+s29+$0x0], $0xffff  }
0x17b: {  	v14 =	vmul.f32 v14, v14;
	v15 =	vadd.f32 v15, v16;
	v16 =	vsub.f32 v56, v20;
	v20 =	vld.idx.msk [tilespmem:v10+s9+$0x0], $0xffff  }
0x17c: {  	v3 =	vsub.f32 v3, v8;
	v12 =	vor.u32 $0x3, v10;
	v8 =	vmul.f32 v5, v23;
	v23 =	vld.idx.msk [tilespmem:v58+s29+$0x0], $0xffff  }
0x17d: {  	v14 =	vadd.f32 v14, v15;
	v15 =	vmul.f32 v16, v16;
	v16 =	vsub.f32 v19, v21;
	v19 =	vld.idx.msk [tilespmem:v17+s29+$0x0], $0xffff  }
0x17e: {  	v3 =	vmul.f32 v3, v3;
	v21 =	vor.u32 $0x4, v10;
	v17 =	vld.idx.msk [tilespmem:v17+s9+$0x0], $0xffff;
	v2 =	vmul.f32 v8, v5  }
0x17f: {  	v8 =	vld.idx.msk [tilespmem:v58+s9+$0x0], $0xffff;
	v14 =	vadd.f32 v15, v14;
	v15 =	vmul.f32 v16, v16;
	v16 =	vsub.f32 v18, v22  }
0x180: {  	v6 =	vadd.f32 v7, v6;
	v1 =	vadd.f32 v3, v1;
	v18 =	vor.u32 $0x5, v10  }
0x181: {  	v3 =	vld.idx.msk [tilespmem:v12+s9+$0x0], $0xffff;
	v2 =	vsub.f32 $1.500000000e+00, v2;
	v14 =	vadd.f32 v15, v14;
	v15 =	vmul.f32 v16, v16  }
0x182: {  	v9 =	vor.u32 $0x8, v9;
	v22 =	vor.u32 $0x7, v10;
	v11 =	vsub.f32 v11, v20;
	v16 =	vld.idx.msk [tilespmem:v12+s29+$0x0], $0xffff  }
0x183: {  	s11 =	simm.s32 $0x20;
	v2 =	vmul.f32 v2, v5;
	v12 =	vadd.f32 v15, v14;
	v14 =	vld.idx.msk [tilespmem:v21+s29+$0x0], $0xffff;
	v15 =	vor.u32 $0x6, v10  }
0x184: {  	s16 =	simm.s32 $0xFA0;
	v5 =	vmov s11;
	v17 =	vsub.f32 v19, v17;
	v21 =	vld.idx.msk [tilespmem:v21+s9+$0x0], $0xffff;
	v8 =	vsub.f32 v23, v8  }
0x185: {  	v11 =	vmul.f32 v11, v11;
	v23 =	vld [tilespmem:s16+$0x0];
	v59 =	vshrl.u32 v12, $0x1;
	v60 =	vmul.f32 $5.000000000e-01, v12  }
0x186: {  	v5 =	vshll.u32 v5, $0x4;
	v19 =	vld.idx.msk [tilespmem:v18+s29+$0x0], $0xffff;
	v8 =	vmul.f32 v8, v8;
	v20 =	vsub.s32 $0x5F3759DF, v59  }
0x187: {  	v5 =	vor.u32 v0, v5;
	v18 =	vld.idx.msk [tilespmem:v18+s9+$0x0], $0xffff;
	v2 =	vmul.f32 v2, v13;
	v24 =	vmul.f32 v20, v60  }
0x188: {  	v3 =	vsub.f32 v16, v3;
	v8 =	vadd.f32 v8, v11;
	v11 =	vmul.f32 v17, v17;
	v7 =	vld.idx.msk [tilespmem:v15+s29+$0x0], $0xffff  }
0x189: {  	v2 =	vsub.f32 v6, v2;
	v6 =	vor.u32 $0x1, v5;
	v15 =	vld.idx.msk [tilespmem:v15+s9+$0x0], $0xffff;
	v16 =	vmul.f32 v20, v24  }
0x18a: {  	v13 =	vsub.f32 v14, v21;
	v14 =	vld.idx.msk [tilespmem:v22+s29+$0x0], $0xffff;
	v3 =	vmul.f32 v3, v3;
	v8 =	vadd.f32 v11, v8  }
0x18b: {  	v17 =	vor.u32 $0x2, v5;
	v11 =	vld.idx.msk [tilespmem:v22+s9+$0x0], $0xffff;
	v16 =	vsub.f32 $1.500000000e+00, v16  }
0x18c: {  	v21 =	vld.idx.msk [tilespmem:v5+s29+$0x0], $0xffff;
	v3 =	vadd.f32 v3, v8;
	v8 =	vmul.f32 v13, v13;
	v13 =	vsub.f32 v19, v18  }
0x18d: {  	v2 =	vsub.f32 v2, v4;
	v18 =	vld.idx.msk [tilespmem:v9+s29+$0x0], $0xffff;
	v16 =	vmul.f32 v20, v16  }
0x18e: {  	v9 =	vld.idx.msk [tilespmem:v9+s9+$0x0], $0xffff;
	v3 =	vadd.f32 v8, v3;
	v8 =	vmul.f32 v13, v13;
	v7 =	vsub.f32 v7, v15  }
0x18f: {  	v4 =	vor.u32 $0x3, v5;
	v2 =	vmul.f32 v2, v2;
	v22 =	vld.idx.msk [tilespmem:v6+s29+$0x0], $0xffff;
	v19 =	vmul.f32 v16, v60  }
0x190: {  	v20 =	vld.idx.msk [tilespmem:v5+s9+$0x0], $0xffff;
	v3 =	vadd.f32 v8, v3;
	v7 =	vmul.f32 v7, v7;
	v8 =	vsub.f32 v14, v11  }
0x191: {  	v13 =	vld.idx.msk [tilespmem:v17+s29+$0x0], $0xffff;
	v15 =	vor.u32 $0x4, v5;
	v19 =	vmul.f32 v19, v16  }
0x192: {  	v1 =	vadd.f32 v2, v1;
	v11 =	vld.idx.msk [tilespmem:v6+s9+$0x0], $0xffff;
	v2 =	vadd.f32 v7, v3;
	v3 =	vmul.f32 v8, v8  }
0x193: {  	v14 =	vld.idx.msk [tilespmem:v17+s9+$0x0], $0xffff;
	v6 =	vsub.f32 $1.500000000e+00, v19  }
0x194: {  	v17 =	vor.u32 $0x5, v5;
	v8 =	vld.idx.msk [tilespmem:v4+s29+$0x0], $0xffff;
	v2 =	vadd.f32 v3, v2  }
0x195: {  	s21 =	simm.s32 $0x30;
	v62 =	vor.u32 $0x6, v5;
	v18 =	vadd.f32 v9, v18;
	v4 =	vld.idx.msk [tilespmem:v4+s9+$0x0], $0xffff;
	v16 =	vmul.f32 v6, v16  }
0x196: {  	v7 =	vmov s21;
	v61 =	vld.idx.msk [tilespmem:v15+s29+$0x0], $0xffff;
	v3 =	vshrl.u32 v2, $0x1;
	v9 =	vmul.f32 $5.000000000e-01, v2  }
0x197: {  	v63 =	vld.idx.msk [tilespmem:v15+s9+$0x0], $0xffff;
	v15 =	vsub.f32 v22, v11;
	v11 =	vsub.s32 $0x5F3759DF, v3;
	v12 =	vmul.f32 v16, v12  }
0x198: {  	v6 =	vor.u32 $0x7, v5;
	v16 =	vsub.f32 v21, v20;
	v19 =	vmul.f32 v11, v9  }
0x199: {  	v7 =	vshll.u32 v7, $0x4;
	v20 =	vsub.f32 v13, v14;
	v14 =	vld.idx.msk [tilespmem:v17+s9+$0x0], $0xffff;
	v18 =	vsub.f32 v18, v12  }
0x19a: {  	s11 =	simm.s32 $0xFB0;
	v7 =	vor.u32 v0, v7;
	v12 =	vld.idx.msk [tilespmem:v17+s29+$0x0], $0xffff;
	v17 =	vsub.f32 v8, v4;
	v4 =	vmul.f32 v11, v19  }
0x19b: {  	v3 =	vld [tilespmem:s11+$0x0];
	v15 =	vmul.f32 v15, v15;
	v16 =	vmul.f32 v16, v16;
	v18 =	vsub.f32 v18, v23  }
0x19c: {  	v22 =	vor.u32 $0x8, v10;
	v13 =	vld.idx.msk [tilespmem:v62+s29+$0x0], $0xffff  }
0x19d: {  	v20 =	vmul.f32 v20, v20;
	v10 =	vld.idx.msk [tilespmem:v6+s29+$0x0], $0xffff;
	v19 =	vadd.f32 v15, v16;
	v8 =	vmul.f32 v18, v18  }
0x19e: {  	s10 =	simm.s32 @p0 $0x31060;
	s5 =	simm.s32 $0x40;
	v21 =	vor.u32 $0x2, v7;
	v15 =	vld.idx.msk [tilespmem:v62+s9+$0x0], $0xffff;
	v16 =	vsub.f32 $1.500000000e+00, v4;
	v18 =	vsub.f32 v61, v63;
	v4 =	vmovc v7  }
.LBB2_7:
0x19f: {  	p1 =	sne.s32 s5, $0x180;
	v19 =	vadd.f32 v20, v19;
	v17 =	vmul.f32 v17, v17;
	v6 =	vld.idx.msk [tilespmem:v6+s9+$0x0], $0xffff;
	v1 =	vadd.f32 v8, v1  }
0x1a0: {  	v20 =	vor.u32 $0x1, v4;
	v8 =	vld.idx.msk [tilespmem:v7+s29+$0x0], $0xffff;
	v11 =	vmul.f32 v11, v16  }
0x1a1: {  	v12 =	vsub.f32 v12, v14;
	v7 =	vld.idx.msk [tilespmem:v7+s9+$0x0], $0xffff;
	v16 =	vadd.f32 v17, v19;
	v17 =	vmul.f32 v18, v18  }
0x1a2: {  	v14 =	vor.u32 $0x3, v4;
	v18 =	vld.idx.msk [tilespmem:v22+s29+$0x0], $0xffff;
	v9 =	vmul.f32 v11, v9  }
0x1a3: {  	v12 =	vmul.f32 v12, v12;
	v13 =	vsub.f32 v13, v15;
	v16 =	vadd.f32 v17, v16;
	v15 =	vld.idx.msk [tilespmem:v22+s9+$0x0], $0xffff  }
0x1a4: {  	v19 =	vor.u32 $0x4, v4;
	v17 =	vld.idx.msk [tilespmem:v21+s29+$0x0], $0xffff;
	v9 =	vmul.f32 v9, v11  }
0x1a5: {  	v13 =	vmul.f32 v13, v13;
	v6 =	vsub.f32 v10, v6;
	v22 =	vld.idx.msk [tilespmem:v20+s29+$0x0], $0xffff;
	v12 =	vadd.f32 v12, v16  }
0x1a6: {  	v10 =	vld.idx.msk [tilespmem:v20+s9+$0x0], $0xffff;
	v9 =	vsub.f32 $1.500000000e+00, v9  }
0x1a7: {  	v16 =	vld.idx.msk [tilespmem:v21+s9+$0x0], $0xffff;
	v12 =	vadd.f32 v13, v12;
	v13 =	vmul.f32 v6, v6  }
0x1a8: {  	v6 =	vmov s5;
	v21 =	vor.u32 $0x5, v4;
	v20 =	vld.idx.msk [tilespmem:v14+s29+$0x0], $0xffff;
	v9 =	vmul.f32 v9, v11  }
0x1a9: {  	v23 =	vshll.u32 v6, $0x4;
	v6 =	vor.u32 $0x7, v4;
	v24 =	vld.idx.msk [tilespmem:v14+s9+$0x0], $0xffff;
	v11 =	vadd.f32 v13, v12  }
0x1aa: {  	v26 =	vor.u32 $0x6, v4;
	v12 =	vadd.f32 v15, v18;
	v25 =	vld.idx.msk [tilespmem:v19+s29+$0x0], $0xffff;
	v13 =	vmul.f32 v9, v2  }
0x1ab: {  	s11 =	sadd.s32 $0x10, s11;
	v8 =	vsub.f32 v8, v7;
	v18 =	vld.idx.msk [tilespmem:v19+s9+$0x0], $0xffff;
	v7 =	vshrl.u32 v11, $0x1;
	v9 =	vmul.f32 $5.000000000e-01, v11;
	v2 =	vmovc v11  }
0x1ac: {  	v10 =	vsub.f32 v22, v10;
	v11 =	vsub.s32 $0x5F3759DF, v7;
	v27 =	vld [tilespmem:s11+$0x0];
	v13 =	vsub.f32 v12, v13  }
.Ltmp2:
0x1ad: {  	v7 =	vor.u32 v0, v23;
	v15 =	vsub.f32 v17, v16;
	v12 =	vld.idx.msk [tilespmem:v21+s29+$0x0], $0xffff;
	v16 =	vmul.f32 v11, v9;
	(pc) =	sbr.rel @p1 .LBB2_7-.Ltmp2, $4  }
0x1ae: {  	v8 =	vmul.f32 v8, v8;
	v10 =	vmul.f32 v10, v10;
	v14 =	vld.idx.msk [tilespmem:v21+s9+$0x0], $0xffff;
	v23 =	vsub.f32 v13, v3  }
0x1af: {  	v22 =	vor.u32 $0x8, v5;
	v5 =	vmovc v4;
	v17 =	vsub.f32 v20, v24;
	v13 =	vld.idx.msk [tilespmem:v26+s29+$0x0], $0xffff;
	v16 =	vmul.f32 v11, v16  }
0x1b0: {  	v20 =	vmul.f32 v15, v15;
	v19 =	vadd.f32 v10, v8;
	v15 =	vld.idx.msk [tilespmem:v26+s9+$0x0], $0xffff;
	v8 =	vmul.f32 v23, v23  }
0x1b1: {  	s5 =	sadd.s32 $0x10, s5;
	v4 =	vmovc v7;
	v21 =	vor.u32 $0x2, v7;
	v18 =	vsub.f32 v25, v18;
	v10 =	vld.idx.msk [tilespmem:v6+s29+$0x0], $0xffff;
	v16 =	vsub.f32 $1.500000000e+00, v16;
	v3 =	vmovc v27  }
0x1b2: {  	_ =	sdelay $0x3  }
0x1b3: {  	v23 =	vld.idx.msk [tilespmem:v6+s9+$0x0], $0xffff  }
0x1b4: {  	v24 =	vld.idx.msk [tilespmem:v7+s29+$0x0], $0xffff  }
0x1b5: {  	v6 =	vor.u32 $0x1, v4;
	v25 =	vld.idx.msk [tilespmem:v7+s9+$0x0], $0xffff  }
0x1b6: {  	v26 =	vld.idx.msk [tilespmem:v22+s29+$0x0], $0xffff  }
0x1b7: {  	v7 =	vor.u32 $0x3, v4;
	v22 =	vld.idx.msk [tilespmem:v22+s9+$0x0], $0xffff  }
0x1b8: {  	v27 =	vld.idx.msk [tilespmem:v21+s29+$0x0], $0xffff  }
0x1b9: {  	v28 =	vor.u32 $0x4, v4;
	v21 =	vld.idx.msk [tilespmem:v21+s9+$0x0], $0xffff  }
0x1ba: {  	v29 =	vld.idx.msk [tilespmem:v6+s29+$0x0], $0xffff  }
0x1bb: {  	v30 =	vld.idx.msk [tilespmem:v6+s9+$0x0], $0xffff  }
0x1bc: {  	v34 =	vor.u32 $0x6, v4;
	v31 =	vld.idx.msk [tilespmem:v7+s29+$0x0], $0xffff  }
0x1bd: {  	v32 =	vld.idx.msk [tilespmem:v7+s9+$0x0], $0xffff  }
0x1be: {  	v35 =	vor.u32 $0x7, v4;
	v33 =	vld.idx.msk [tilespmem:v28+s29+$0x0], $0xffff  }
0x1bf: {  	s5 =	sadd.s32 $0x10, s11;
	v6 =	vor.u32 $0x5, v4;
	v28 =	vld.idx.msk [tilespmem:v28+s9+$0x0], $0xffff  }
0x1c0: {  	v7 =	vld [tilespmem:s5+$0x0]  }
0x1c1: {  	v38 =	vld.idx.msk [tilespmem:v34+s29+$0x0], $0xffff  }
0x1c2: {  	v5 =	vor.u32 $0x8, v5;
	v34 =	vld.idx.msk [tilespmem:v34+s9+$0x0], $0xffff  }
0x1c3: {  	v39 =	vld.idx.msk [tilespmem:v35+s29+$0x0], $0xffff  }
0x1c4: {  	v36 =	vld.idx.msk [tilespmem:v6+s29+$0x0], $0xffff  }
0x1c5: {  	v37 =	vld.idx.msk [tilespmem:v6+s9+$0x0], $0xffff;
	v6 =	vor.u32 $0x8, v4  }
0x1c6: {  	v35 =	vld.idx.msk [tilespmem:v35+s9+$0x0], $0xffff  }
0x1c7: {  	v40 =	vld.idx.msk [tilespmem:v5+s29+$0x0], $0xffff  }
0x1c8: {  	v41 =	vld.idx.msk [tilespmem:v5+s9+$0x0], $0xffff;
	s5 =	sadd.s32 $0x10, s5  }
0x1c9: {  	v4 =	vld [tilespmem:s5+$0x0]  }
0x1ca: {  	v5 =	vld.idx.msk [tilespmem:v6+s29+$0x0], $0xffff  }
0x1cb: {  	v6 =	vld.idx.msk [tilespmem:v6+s9+$0x0], $0xffff;
	_ =	swait.ge [sflag:s30], $0x1900  }
0x1cc: {  	[sflag:s30] =	ssyncset.done $0x0  }
0x1cd: {  	[sflag:s30] =	ssyncadd.s32 $0xFFFFE700  }
0x1ce: {  	_ =	swait.ge [sflag:s30], $0x1900  }
0x1cf: {  	[sflag:s30] =	ssyncset.done $0x0  }
0x1d0: {  	v19 =	vadd.f32 v20, v19;
	v17 =	vmul.f32 v17, v17;
	[sflag:s30] =	ssyncadd.s32 $0xFFFFE700  }
0x1d1: {  	_ =	swait.ge [sflag:s2], $0x190  }
0x1d2: {  	v12 =	vsub.f32 v12, v14;
	v14 =	vmul.f32 v18, v18;
	v17 =	vadd.f32 v17, v19;
	[sflag:s2] =	ssyncset.done $0x0  }
0x1d3: {  	s5 =	simm.s32 @!p0 $0x3;
	[sflag:s2] =	ssyncadd.s32 $0xFFFFFE70  }
0x1d4: {  	v13 =	vsub.f32 v13, v15;
	v12 =	vmul.f32 v12, v12;
	v14 =	vadd.f32 v14, v17;
	_ =	swait.ge @!p0 [sflag:s5], $0x190  }
0x1d5: {  	[sflag:s5] =	ssyncset.done @!p0 $0x0  }
0x1d6: {  	v10 =	vsub.f32 v10, v23;
	v13 =	vmul.f32 v13, v13;
	v12 =	vadd.f32 v12, v14;
	[sflag:s5] =	ssyncadd.s32 @!p0 $0xFFFFFE70  }
0x1d7: {  	_ =	swait.ge @!p0 [sflag:s5], $0x190  }
0x1d8: {  	s11 =	simm.s32 @!p0 $0x320;
	v10 =	vmul.f32 v10, v10;
	v12 =	vadd.f32 v13, v12;
	[sflag:s5] =	ssyncset.done @!p0 $0x0  }
0x1d9: {  	s16 =	simm.s32 @!p0 $0x44C0;
	v13 =	vsub.f32 v24, v25;
	[sflag:s5] =	ssyncadd.s32 @!p0 $0xFFFFFE70;
	s5 =	simm.s32 @!p0 $0x190  }
0x1da: {  	v14 =	vsub.f32 v29, v30;
	v10 =	vadd.f32 v10, v12;
	[tilespmem:s16], [sflag:$0x7] =	stream.indirect.gather @!p0 [hbm4b:s7+s5], $0x10, s11, s5, $0xb8;
	[tilespmem:$0xDAD0] =	vst v63  }
0x1db: {  	v11 =	vmul.f32 v11, v16;
	v12 =	vsub.f32 v27, v21;
	v13 =	vmul.f32 v13, v13;
	s11 =	simm.s32 @!p0 $0x960;
	s16 =	simm.s32 @!p0 $0xA8C0  }
0x1dc: {  	v14 =	vmul.f32 v14, v14;
	v15 =	vshrl.u32 v10, $0x1;
	v16 =	vmul.f32 $5.000000000e-01, v10;
	[tilespmem:s16], [sflag:$0x7] =	stream.indirect.gather @!p0 [hbm4b:s8+s5], $0x10, s11, s5, $0xb8;
	[tilespmem:$0xDAD0] =	vst v63  }
0x1dd: {  	v9 =	vmul.f32 v11, v9;
	v15 =	vsub.s32 $0x5F3759DF, v15;
	s5 =	sadd.s32 @!p0 s6, s10  }
0x1de: {  	s21 =	simm.s32 $0x0;
	v12 =	vmul.f32 v12, v12;
	v13 =	vadd.f32 v14, v13;
	v14 =	vmul.f32 v15, v16;
	s5 =	sshrl.u32 @!p0 s5, $0x3  }
0x1df: {  	v18 =	vmov s21;
	v17 =	vsub.f32 v31, v32;
	s10 =	simm.s32 @!p0 $0x0;
	s11 =	simm.s32 @!p0 $0xFA0;
	s5 =	sadd.s32 @!p0 s4, s5  }
0x1e0: {  	v12 =	vadd.f32 v12, v13;
	v13 =	vmul.f32 v9, v11;
	v14 =	vmul.f32 v15, v14;
	[tilespmem:s11], [sflag:$0xB] =	stream.linear.gather @!p0 [hbm4b:s5+s10], $0x190, $0x38;
	[tilespmem:$0xDAD0] =	vst v63  }
0x1e1: {  	v9 =	vshll.u32 v18, $0x4;
	v18 =	vsub.f32 v33, v28;
	s5 =	rddreg [dreg:$0x11]  }
0x1e2: {  	v17 =	vmul.f32 v17, v17;
	v13 =	vsub.f32 $1.500000000e+00, v13;
	v14 =	vsub.f32 $1.500000000e+00, v14;
	s5 =	sadd.s32 @!p0 s18, s5  }
0x1e3: {  	v9 =	vor.u32 v0, v9;
	v18 =	vmul.f32 v18, v18;
	s5 =	sshrl.u32 @!p0 s5, $0x3  }
0x1e4: {  	v12 =	vadd.f32 v17, v12;
	v11 =	vmul.f32 v13, v11;
	v13 =	vmul.f32 v15, v14;
	s16 =	simm.s32 @!p0 $0x4B0;
	s11 =	sadd.s32 @!p0 s1, s5  }
0x1e5: {  	v19 =	vsub.f32 v36, v37;
	v17 =	vor.u32 $0x2, v9;
	[tilespmem:s16], [sflag:$0x4] =	stream.linear.gather @!p0 [hbm4b:s11+s10], $0x190, $0x38;
	[tilespmem:$0xDAD0] =	vst v63  }
0x1e6: {  	v20 =	vor.u32 $0x1, v9;
	v12 =	vadd.f32 v18, v12;
	v16 =	vmul.f32 v13, v16;
	s5 =	sadd.s32 @!p0 s3, s5;
	s11 =	simm.s32 @!p0 $0xAF0  }
0x1e7: {  	v14 =	vmul.f32 v19, v19;
	v15 =	vsub.f32 v38, v34;
	v19 =	vadd.f32 v22, v26;
	[tilespmem:s11], [sflag:$0x4] =	stream.linear.gather @!p0 [hbm4b:s5+s10], $0x190, $0x38;
	[tilespmem:$0xDAD0] =	vst v63  }
0x1e8: {  	v22 =	vor.u32 $0x3, v9;
	v2 =	vmul.f32 v11, v2;
	v11 =	vmul.f32 v16, v13;
	v18 =	vld.idx.msk [tilespmem:v9+s15+$0x0], $0xffff  }
0x1e9: {  	v12 =	vadd.f32 v14, v12;
	v14 =	vmul.f32 v15, v15;
	v15 =	vsub.f32 v39, v35;
	v21 =	vld.idx.msk [tilespmem:v9+s17+$0x0], $0xffff  }
0x1ea: {  	v2 =	vsub.f32 v19, v2;
	v11 =	vsub.f32 $1.500000000e+00, v11;
	v23 =	vld.idx.msk [tilespmem:v17+s15+$0x0], $0xffff  }
0x1eb: {  	v16 =	vor.u32 $0x4, v9;
	v12 =	vadd.f32 v14, v12;
	v14 =	vmul.f32 v15, v15;
	v53 =	vld.idx.msk [tilespmem:v20+s15+$0x0], $0xffff  }
0x1ec: {  	v2 =	vsub.f32 v2, v3;
	v3 =	vmul.f32 v11, v13;
	v15 =	vld.idx.msk [tilespmem:v20+s17+$0x0], $0xffff  }
0x1ed: {  	v1 =	vadd.f32 v8, v1;
	v55 =	vor.u32 $0x7, v9;
	v12 =	vadd.f32 v14, v12;
	v17 =	vld.idx.msk [tilespmem:v17+s17+$0x0], $0xffff  }
0x1ee: {  	v19 =	vor.u32 $0x5, v9;
	v11 =	vadd.f32 v41, v40;
	v3 =	vmul.f32 v3, v10;
	v14 =	vld.idx.msk [tilespmem:v22+s15+$0x0], $0xffff  }
0x1ef: {  	v13 =	vshrl.u32 v12, $0x1;
	v54 =	vmul.f32 $5.000000000e-01, v12;
	v2 =	vmul.f32 v2, v2;
	v8 =	vld.idx.msk [tilespmem:v22+s17+$0x0], $0xffff  }
0x1f0: {  	v13 =	vsub.s32 $0x5F3759DF, v13;
	v3 =	vsub.f32 v11, v3;
	v20 =	vld.idx.msk [tilespmem:v16+s15+$0x0], $0xffff;
	v22 =	vor.u32 $0x6, v9  }
0x1f1: {  	v56 =	vmul.f32 v13, v54;
	s11 =	simm.s32 $0x10;
	v16 =	vld.idx.msk [tilespmem:v16+s17+$0x0], $0xffff;
	v18 =	vsub.f32 v18, v21;
	v15 =	vsub.f32 v53, v15  }
0x1f2: {  	v1 =	vadd.f32 v2, v1;
	v3 =	vsub.f32 v3, v7;
	v21 =	vmov s11  }
0x1f3: {  	v17 =	vsub.f32 v23, v17;
	v23 =	vld.idx.msk [tilespmem:v19+s15+$0x0], $0xffff;
	v18 =	vmul.f32 v18, v18;
	v15 =	vmul.f32 v15, v15  }
0x1f4: {  	v14 =	vsub.f32 v14, v8;
	v19 =	vld.idx.msk [tilespmem:v19+s17+$0x0], $0xffff;
	v8 =	vshll.u32 v21, $0x4;
	v21 =	vmul.f32 v13, v56  }
0x1f5: {  	v8 =	vor.u32 v0, v8;
	v17 =	vmul.f32 v17, v17;
	v15 =	vadd.f32 v15, v18;
	v18 =	vld.idx.msk [tilespmem:v22+s15+$0x0], $0xffff  }
0x1f6: {  	v16 =	vsub.f32 v20, v16;
	v10 =	vsub.f32 $1.500000000e+00, v21;
	v22 =	vld.idx.msk [tilespmem:v22+s17+$0x0], $0xffff  }
0x1f7: {  	v14 =	vmul.f32 v14, v14;
	v21 =	vld.idx.msk [tilespmem:v55+s17+$0x0], $0xffff;
	v57 =	vor.u32 $0x1, v8;
	v15 =	vadd.f32 v17, v15  }
0x1f8: {  	v3 =	vmul.f32 v3, v3;
	v20 =	vor.u32 $0x2, v8;
	v10 =	vmul.f32 v13, v10;
	v17 =	vld.idx.msk [tilespmem:v55+s15+$0x0], $0xffff  }
0x1f9: {  	v14 =	vadd.f32 v14, v15;
	v15 =	vmul.f32 v16, v16;
	v16 =	vsub.f32 v23, v19  }
0x1fa: {  	v3 =	vadd.f32 v3, v1;
	v13 =	vor.u32 $0x3, v8;
	v11 =	vld.idx.msk [tilespmem:v8+s15+$0x0], $0xffff;
	v7 =	vmul.f32 v10, v54  }
0x1fb: {  	s16 =	simm.s32 $0x20;
	v19 =	vld.idx.msk [tilespmem:v8+s17+$0x0], $0xffff;
	v14 =	vadd.f32 v15, v14;
	v15 =	vmul.f32 v16, v16;
	v16 =	vsub.f32 v18, v22  }
0x1fc: {  	v1 =	vmov s16;
	v23 =	vld.idx.msk [tilespmem:v57+s15+$0x0], $0xffff;
	v2 =	vmul.f32 v7, v10;
	v22 =	vor.u32 $0x4, v8  }
0x1fd: {  	v7 =	vld.idx.msk [tilespmem:v57+s17+$0x0], $0xffff;
	v14 =	vadd.f32 v15, v14;
	v15 =	vmul.f32 v16, v16;
	v16 =	vsub.f32 v17, v21  }
0x1fe: {  	v1 =	vshll.u32 v1, $0x4;
	v18 =	vld.idx.msk [tilespmem:v20+s15+$0x0], $0xffff  }
0x1ff: {  	v17 =	vld.idx.msk [tilespmem:v20+s17+$0x0], $0xffff;
	v20 =	vor.u32 $0x5, v8;
	v14 =	vadd.f32 v15, v14;
	v15 =	vmul.f32 v16, v16  }
0x200: {  	v5 =	vadd.f32 v6, v5;
	v1 =	vor.u32 v0, v1;
	v2 =	vsub.f32 $1.500000000e+00, v2;
	v16 =	vld.idx.msk [tilespmem:v13+s15+$0x0], $0xffff  }
0x201: {  	v21 =	vor.u32 $0x7, v8;
	v11 =	vsub.f32 v11, v19;
	v13 =	vld.idx.msk [tilespmem:v13+s17+$0x0], $0xffff;
	v14 =	vadd.f32 v15, v14  }
0x202: {  	v2 =	vmul.f32 v2, v10;
	v7 =	vsub.f32 v23, v7;
	v10 =	vld.idx.msk [tilespmem:v22+s15+$0x0], $0xffff;
	v15 =	vor.u32 $0x6, v8  }
0x203: {  	v22 =	vld.idx.msk [tilespmem:v22+s17+$0x0], $0xffff;
	v11 =	vmul.f32 v11, v11;
	v58 =	vshrl.u32 v14, $0x1;
	v59 =	vmul.f32 $5.000000000e-01, v14  }
0x204: {  	v7 =	vmul.f32 v7, v7;
	v17 =	vsub.f32 v18, v17;
	v18 =	vld.idx.msk [tilespmem:v20+s15+$0x0], $0xffff;
	v19 =	vsub.s32 $0x5F3759DF, v58  }
0x205: {  	v9 =	vor.u32 $0x8, v9;
	v2 =	vmul.f32 v2, v12;
	v20 =	vld.idx.msk [tilespmem:v20+s17+$0x0], $0xffff;
	v24 =	vmul.f32 v19, v59  }
0x206: {  	v12 =	vld.idx.msk [tilespmem:v21+s15+$0x0], $0xffff;
	v7 =	vadd.f32 v7, v11;
	v6 =	vsub.f32 v16, v13;
	v11 =	vmul.f32 v17, v17  }
0x207: {  	v13 =	vld.idx.msk [tilespmem:v15+s15+$0x0], $0xffff;
	v16 =	vmul.f32 v19, v24  }
0x208: {  	v10 =	vsub.f32 v10, v22;
	v15 =	vld.idx.msk [tilespmem:v15+s17+$0x0], $0xffff;
	v7 =	vadd.f32 v11, v7;
	v6 =	vmul.f32 v6, v6  }
0x209: {  	v2 =	vsub.f32 v5, v2;
	v11 =	vld.idx.msk [tilespmem:v21+s17+$0x0], $0xffff;
	v21 =	vor.u32 $0x1, v1;
	v16 =	vsub.f32 $1.500000000e+00, v16  }
0x20a: {  	v5 =	vld.idx.msk [tilespmem:v1+s15+$0x0], $0xffff;
	v6 =	vadd.f32 v6, v7;
	v7 =	vmul.f32 v10, v10;
	v10 =	vsub.f32 v18, v20  }
0x20b: {  	v2 =	vsub.f32 v2, v4;
	v18 =	vld.idx.msk [tilespmem:v9+s15+$0x0], $0xffff;
	v16 =	vmul.f32 v19, v16  }
0x20c: {  	v4 =	vor.u32 $0x3, v1;
	v9 =	vld.idx.msk [tilespmem:v9+s17+$0x0], $0xffff;
	v6 =	vadd.f32 v7, v6;
	v7 =	vmul.f32 v10, v10  }
0x20d: {  	v17 =	vor.u32 $0x2, v1;
	v19 =	vld.idx.msk [tilespmem:v1+s17+$0x0], $0xffff;
	v10 =	vsub.f32 v13, v15;
	v20 =	vmul.f32 v16, v59  }
0x20e: {  	v2 =	vmul.f32 v2, v2;
	v22 =	vld.idx.msk [tilespmem:v21+s15+$0x0], $0xffff;
	v6 =	vadd.f32 v7, v6  }
0x20f: {  	s18 =	simm.s32 $0x1130;
	v7 =	vmul.f32 v10, v10;
	v10 =	vsub.f32 v12, v11;
	v11 =	vld.idx.msk [tilespmem:v21+s17+$0x0], $0xffff;
	v20 =	vmul.f32 v20, v16  }
0x210: {  	v23 =	vld [tilespmem:s18+$0x0];
	v2 =	vadd.f32 v2, v3;
	v15 =	vor.u32 $0x4, v1  }
0x211: {  	v61 =	vld.idx.msk [tilespmem:v4+s17+$0x0], $0xffff;
	v3 =	vadd.f32 v7, v6;
	v6 =	vmul.f32 v10, v10;
	v12 =	vsub.f32 $1.500000000e+00, v20  }
0x212: {  	v60 =	vor.u32 $0x5, v1;
	v63 =	vor.u32 $0x6, v1;
	v13 =	vld.idx.msk [tilespmem:v17+s15+$0x0], $0xffff  }
0x213: {  	s21 =	simm.s32 $0x30;
	v21 =	vld.idx.msk [tilespmem:v4+s15+$0x0], $0xffff;
	v9 =	vadd.f32 v9, v18;
	v3 =	vadd.f32 v6, v3;
	v10 =	vmul.f32 v12, v16  }
0x214: {  	v7 =	vmov s21;
	v5 =	vsub.f32 v5, v19;
	v20 =	vld.idx.msk [tilespmem:v17+s17+$0x0], $0xffff;
	v11 =	vsub.f32 v22, v11  }
0x215: {  	s10 =	simm.s32 $0x1140;
	v62 =	vld.idx.msk [tilespmem:v15+s15+$0x0], $0xffff;
	v16 =	vshll.u32 v7, $0x4;
	v4 =	vshrl.u32 v3, $0x1;
	v10 =	vmul.f32 v10, v14  }
0x216: {  	v12 =	vor.u32 $0x7, v1;
	v6 =	vmul.f32 $5.000000000e-01, v3;
	v7 =	vsub.s32 $0x5F3759DF, v4;
	v4 =	vld [tilespmem:s10+$0x0]  }
0x217: {  	v5 =	vmul.f32 v5, v5;
	v14 =	vld.idx.msk [tilespmem:v15+s17+$0x0], $0xffff;
	v9 =	vsub.f32 v9, v10  }
0x218: {  	v17 =	vor.u32 v0, v16;
	v19 =	vmul.f32 v11, v11;
	v11 =	vld.idx.msk [tilespmem:v63+s15+$0x0], $0xffff;
	v16 =	vmul.f32 v7, v6  }
0x219: {  	v15 =	vld.idx.msk [tilespmem:v60+s17+$0x0], $0xffff;
	v13 =	vsub.f32 v13, v20;
	v9 =	vsub.f32 v9, v23  }
0x21a: {  	v8 =	vor.u32 $0x8, v8;
	v18 =	vsub.f32 v21, v61;
	v10 =	vld.idx.msk [tilespmem:v60+s15+$0x0], $0xffff;
	v23 =	vmul.f32 v7, v16  }
0x21b: {  	v21 =	vadd.f32 v19, v5;
	v22 =	vmul.f32 v13, v13;
	v13 =	vld.idx.msk [tilespmem:v12+s15+$0x0], $0xffff;
	v9 =	vmul.f32 v9, v9  }
0x21c: {  	s5 =	simm.s32 $0x40;
	v19 =	vor.u32 $0x2, v17;
	v5 =	vmovc v17;
	v16 =	vld.idx.msk [tilespmem:v63+s17+$0x0], $0xffff;
	v20 =	vsub.f32 v62, v14;
	v14 =	vsub.f32 $1.500000000e+00, v23  }
.LBB2_9:
0x21d: {  	p0 =	sne.s32 s5, $0x180;
	v21 =	vadd.f32 v22, v21;
	v18 =	vmul.f32 v18, v18;
	v12 =	vld.idx.msk [tilespmem:v12+s17+$0x0], $0xffff;
	v2 =	vadd.f32 v9, v2  }
0x21e: {  	v22 =	vor.u32 $0x1, v5;
	v9 =	vld.idx.msk [tilespmem:v17+s15+$0x0], $0xffff;
	v7 =	vmul.f32 v7, v14  }
0x21f: {  	v10 =	vsub.f32 v10, v15;
	v14 =	vld.idx.msk [tilespmem:v17+s17+$0x0], $0xffff;
	v17 =	vadd.f32 v18, v21;
	v18 =	vmul.f32 v20, v20  }
0x220: {  	v15 =	vor.u32 $0x3, v5;
	v20 =	vld.idx.msk [tilespmem:v8+s15+$0x0], $0xffff;
	v6 =	vmul.f32 v7, v6  }
0x221: {  	v10 =	vmul.f32 v10, v10;
	v11 =	vsub.f32 v11, v16;
	v17 =	vadd.f32 v18, v17;
	v8 =	vld.idx.msk [tilespmem:v8+s17+$0x0], $0xffff  }
0x222: {  	v18 =	vor.u32 $0x4, v5;
	v16 =	vld.idx.msk [tilespmem:v19+s15+$0x0], $0xffff;
	v6 =	vmul.f32 v6, v7  }
0x223: {  	v11 =	vmul.f32 v11, v11;
	v12 =	vsub.f32 v13, v12;
	v21 =	vld.idx.msk [tilespmem:v22+s15+$0x0], $0xffff;
	v10 =	vadd.f32 v10, v17  }
0x224: {  	v13 =	vld.idx.msk [tilespmem:v22+s17+$0x0], $0xffff;
	v6 =	vsub.f32 $1.500000000e+00, v6  }
0x225: {  	v19 =	vld.idx.msk [tilespmem:v19+s17+$0x0], $0xffff;
	v10 =	vadd.f32 v11, v10;
	v11 =	vmul.f32 v12, v12  }
0x226: {  	v23 =	vor.u32 $0x5, v5;
	v12 =	vmov s5;
	v22 =	vld.idx.msk [tilespmem:v15+s15+$0x0], $0xffff;
	v6 =	vmul.f32 v6, v7  }
0x227: {  	v17 =	vshll.u32 v12, $0x4;
	v12 =	vor.u32 $0x7, v5;
	v24 =	vld.idx.msk [tilespmem:v15+s17+$0x0], $0xffff;
	v7 =	vadd.f32 v11, v10  }
0x228: {  	v26 =	vor.u32 $0x6, v5;
	v8 =	vadd.f32 v8, v20;
	v25 =	vld.idx.msk [tilespmem:v18+s15+$0x0], $0xffff;
	v10 =	vmul.f32 v6, v3  }
0x229: {  	s10 =	sadd.s32 $0x10, s10;
	v9 =	vsub.f32 v9, v14;
	v14 =	vld.idx.msk [tilespmem:v18+s17+$0x0], $0xffff;
	v11 =	vshrl.u32 v7, $0x1;
	v6 =	vmul.f32 $5.000000000e-01, v7;
	v3 =	vmovc v7  }
0x22a: {  	v13 =	vsub.f32 v21, v13;
	v7 =	vsub.s32 $0x5F3759DF, v11;
	v27 =	vld [tilespmem:s10+$0x0];
	v8 =	vsub.f32 v8, v10  }
.Ltmp3:
0x22b: {  	v17 =	vor.u32 v0, v17;
	v16 =	vsub.f32 v16, v19;
	v10 =	vld.idx.msk [tilespmem:v23+s15+$0x0], $0xffff;
	v19 =	vmul.f32 v7, v6;
	(pc) =	sbr.rel @p0 .LBB2_9-.Ltmp3, $4  }
0x22c: {  	v9 =	vmul.f32 v9, v9;
	v13 =	vmul.f32 v13, v13;
	v15 =	vld.idx.msk [tilespmem:v23+s17+$0x0], $0xffff;
	v28 =	vsub.f32 v8, v4  }
0x22d: {  	v18 =	vsub.f32 v22, v24;
	v8 =	vor.u32 $0x8, v1;
	v1 =	vmovc v5;
	v11 =	vld.idx.msk [tilespmem:v26+s15+$0x0], $0xffff;
	v23 =	vmul.f32 v7, v19  }
0x22e: {  	v22 =	vmul.f32 v16, v16;
	v21 =	vadd.f32 v13, v9;
	v16 =	vld.idx.msk [tilespmem:v26+s17+$0x0], $0xffff;
	v9 =	vmul.f32 v28, v28  }
0x22f: {  	s5 =	sadd.s32 $0x10, s5;
	v5 =	vmovc v17;
	v19 =	vor.u32 $0x2, v17;
	v20 =	vsub.f32 v25, v14;
	v13 =	vld.idx.msk [tilespmem:v12+s15+$0x0], $0xffff;
	v14 =	vsub.f32 $1.500000000e+00, v23;
	v4 =	vmovc v27  }
0x230: {  	_ =	sdelay $0x2  }
0x231: {  	v23 =	vor.u32 $0x1, v5  }
0x232: {  	v12 =	vld.idx.msk [tilespmem:v12+s17+$0x0], $0xffff  }
0x233: {  	v24 =	vld.idx.msk [tilespmem:v17+s15+$0x0], $0xffff  }
0x234: {  	v57 =	vld.idx.msk [tilespmem:v17+s17+$0x0], $0xffff;
	v25 =	vor.u32 $0x3, v5  }
0x235: {  	v28 =	vld.idx.msk [tilespmem:v19+s15+$0x0], $0xffff  }
0x236: {  	v27 =	vor.u32 $0x4, v5;
	v26 =	vld.idx.msk [tilespmem:v23+s15+$0x0], $0xffff  }
0x237: {  	v23 =	vld.idx.msk [tilespmem:v23+s17+$0x0], $0xffff  }
0x238: {  	v58 =	vld.idx.msk [tilespmem:v19+s17+$0x0], $0xffff;
	v29 =	vor.u32 $0x5, v5  }
0x239: {  	v30 =	vld.idx.msk [tilespmem:v25+s15+$0x0], $0xffff  }
0x23a: {  	v31 =	vor.u32 $0x6, v5;
	v25 =	vld.idx.msk [tilespmem:v25+s17+$0x0], $0xffff  }
0x23b: {  	v60 =	vor.u32 $0x7, v5;
	v59 =	vld.idx.msk [tilespmem:v27+s15+$0x0], $0xffff  }
0x23c: {  	v17 =	vsub.f32 v24, v57;
	v27 =	vld.idx.msk [tilespmem:v27+s17+$0x0], $0xffff;
	v23 =	vsub.f32 v26, v23  }
0x23d: {  	v61 =	vld.idx.msk [tilespmem:v29+s15+$0x0], $0xffff  }
0x23e: {  	v19 =	vsub.f32 v28, v58;
	v62 =	vld.idx.msk [tilespmem:v29+s17+$0x0], $0xffff;
	v17 =	vmul.f32 v17, v17;
	v23 =	vmul.f32 v23, v23  }
0x23f: {  	v21 =	vadd.f32 v22, v21;
	v18 =	vmul.f32 v18, v18;
	v63 =	vld.idx.msk [tilespmem:v31+s15+$0x0], $0xffff  }
0x240: {  	v32 =	vld.idx.msk [tilespmem:v60+s15+$0x0], $0xffff;
	v19 =	vmul.f32 v19, v19;
	v25 =	vsub.f32 v30, v25;
	v17 =	vadd.f32 v23, v17  }
0x241: {  	v10 =	vsub.f32 v10, v15;
	v18 =	vadd.f32 v18, v21;
	v29 =	vmul.f32 v20, v20;
	v30 =	vld.idx.msk [tilespmem:v31+s17+$0x0], $0xffff  }
0x242: {  	v34 =	vld.idx.msk [tilespmem:v60+s17+$0x0], $0xffff;
	v31 =	vsub.f32 v59, v27;
	v33 =	vmul.f32 v25, v25;
	v17 =	vadd.f32 v19, v17  }
0x243: {  	v11 =	vsub.f32 v11, v16;
	v10 =	vmul.f32 v10, v10;
	v15 =	vadd.f32 v29, v18  }
0x244: {  	v35 =	vsub.f32 v61, v62;
	v21 =	vmul.f32 v31, v31;
	v17 =	vadd.f32 v33, v17  }
0x245: {  	v11 =	vmul.f32 v11, v11;
	v12 =	vsub.f32 v13, v12;
	v10 =	vadd.f32 v10, v15  }
0x246: {  	v37 =	vmul.f32 v35, v35;
	v38 =	vsub.f32 v63, v30;
	v36 =	vadd.f32 v21, v17  }
0x247: {  	v39 =	vmul.f32 v12, v12;
	v42 =	vsub.f32 v32, v34  }
0x248: {  	v10 =	vadd.f32 v11, v10;
	v41 =	vmul.f32 v38, v38;
	v40 =	vadd.f32 v37, v36;
	_ =	sdelay $0x1  }
0x249: {  	v44 =	vmul.f32 v42, v42;
	v10 =	vadd.f32 v39, v10;
	v43 =	vadd.f32 v41, v40;
	_ =	sdelay $0x1  }
0x24a: {  	v45 =	vshrl.u32 v10, $0x1;
	v46 =	vmul.f32 $5.000000000e-01, v10;
	v11 =	vadd.f32 v44, v43  }
0x24b: {  	v47 =	vsub.s32 $0x5F3759DF, v45  }
0x24c: {  	v13 =	vmul.f32 v47, v46;
	v48 =	vshrl.u32 v11, $0x1;
	v49 =	vmul.f32 $5.000000000e-01, v11  }
0x24d: {  	v16 =	vsub.s32 $0x5F3759DF, v48  }
0x24e: {  	v13 =	vmul.f32 v47, v13;
	v50 =	vmul.f32 v16, v49  }
0x24f: {  	v7 =	vmul.f32 v7, v14  }
0x250: {  	v1 =	vor.u32 $0x8, v1;
	v13 =	vsub.f32 $1.500000000e+00, v13;
	v51 =	vmul.f32 v16, v50  }
0x251: {  	v6 =	vmul.f32 v7, v6  }
0x252: {  	v54 =	vor.u32 $0x8, v5;
	v12 =	vmul.f32 v47, v13;
	v52 =	vsub.f32 $1.500000000e+00, v51  }
0x253: {  	v53 =	vld.idx.msk [tilespmem:v8+s15+$0x0], $0xffff;
	v6 =	vmul.f32 v6, v7  }
0x254: {  	v55 =	vld.idx.msk [tilespmem:v8+s17+$0x0], $0xffff;
	v15 =	vmul.f32 v12, v46;
	v13 =	vmul.f32 v16, v52  }
0x255: {  	v56 =	vld.idx.msk [tilespmem:v1+s15+$0x0], $0xffff  }
0x256: {  	v1 =	vld.idx.msk [tilespmem:v1+s17+$0x0], $0xffff;
	v6 =	vsub.f32 $1.500000000e+00, v6;
	v15 =	vmul.f32 v15, v12;
	v17 =	vmul.f32 v13, v49  }
0x257: {  	v58 =	vld.idx.msk [tilespmem:v54+s15+$0x0], $0xffff  }
0x258: {  	v5 =	vld.idx.msk [tilespmem:v54+s17+$0x0], $0xffff;
	v6 =	vmul.f32 v6, v7;
	v57 =	vsub.f32 $1.500000000e+00, v15;
	v17 =	vmul.f32 v17, v13  }
0x259: {  	v8 =	vadd.f32 v55, v53  }
0x25a: {  	s5 =	sadd.s32 $0x10, s10;
	v3 =	vmul.f32 v6, v3;
	v59 =	vmul.f32 v57, v12;
	v60 =	vsub.f32 $1.500000000e+00, v17  }
0x25b: {  	v61 =	vld [tilespmem:s5+$0x0];
	v1 =	vadd.f32 v1, v56  }
0x25c: {  	s5 =	sadd.s32 $0x10, s5;
	v3 =	vsub.f32 v8, v3;
	v6 =	vmul.f32 v59, v10;
	v7 =	vmul.f32 v60, v13  }
0x25d: {  	v5 =	vadd.f32 v5, v58;
	v62 =	vld [tilespmem:s5+$0x0]  }
0x25e: {  	v3 =	vsub.f32 v3, v4;
	v1 =	vsub.f32 v1, v6;
	v63 =	vmul.f32 v7, v11  }
0x25f: {  	v2 =	vadd.f32 v9, v2  }
0x260: {  	v3 =	vmul.f32 v3, v3;
	v1 =	vsub.f32 v1, v61;
	v5 =	vsub.f32 v5, v63  }
0x261: {  	s28 =	sadd.s32 $0x1, s28  }
0x262: {  	p0 =	sne.s32 s28, $0x7D;
	v2 =	vadd.f32 v3, v2;
	v1 =	vmul.f32 v1, v1;
	v3 =	vsub.f32 v5, v62  }
.Ltmp4:
0x263: {  	_ = 	snop;
	(pc) =	sbr.rel @p0 .LBB2_2-.Ltmp4, $3  }
0x264: {  	v1 =	vadd.f32 v1, v2;
	v2 =	vmul.f32 v3, v3;
	_ =	sdelay $0x1  }
0x265: {  	v1 =	vadd.f32 v2, v1  }
0x266: {  	s16 =	simm.s32 $0x0  }
0x267: {  	[tilespmem:$0xDAC0] =	vst v1;
	s5 =	rddreg [dreg:$0x12];
	s10 =	simm.s32 $0xDAC0;
	s21 =	simm.s32 $0xD  }
0x268: {  	[hbm4b:s5+s16] =	stream.linear.scatter [tilespmem:s10], [sflag:$0xD], $0x10, $0x38;
	[tilespmem:$0xDAD0] =	vst v63  }
0x269: {  	_ =	swait.ge [sflag:s21], $0x10  }
0x26a: {  	s11 =	rddreg [dreg:$0x14]  }
0x26b: {  	s28 =	rddreg [dreg:$0x13];
	s11 =	sadd.s32 $0x1, s11  }
0x26c: {  	p0 =	sne.s32 s11, s28  }
.Ltmp5:
0x26d: {  	_ = 	snop;
	(pc) =	sbr.rel @p0 .LBB2_1-.Ltmp5, $3  }
0x26e: {  	_ =	sdelay $0x1  }
0x26f: {  	[sflag:s21] =	ssyncset.done $0x0  }
0x270: {  	[sflag:s21] =	ssyncadd.s32 $0xFFFFFFF0  }
0x271: {  	_ =	sfence.sel $0x180000  }
0x272: {  	[bflag:$0x0] =	sbarrier.arrive $0xFFFF  }
0x273: {  	_ =	strace $0x90000047  }
0x274: {  	s0 =	stileid.u32;
	[bflag:$0x2] =	sbarrier.arrive $0xFFFF  }
0x275: {  	p0 =	sne.s32 s0, $0x0;
	s0 =	rddreg [dreg:$0x4]  }
0x276: {  	s0 =	sadd.s32 @!p0 $0x100000, s0  }
0x277: {  	[sflag:s0] =	ssyncadd.tile.s32 @!p0 $0x1;
	_ =	shalt  }
.Lfunc_end2:
_tile_overlayer_lowered:
.L_overlay_start_2:
0x278: {  	(tag) =	ssettag $0x2  }
0x279: {  	s0 =	rddreg [dreg:$0x0];
	s2 =	stileid.u32  }
0x27a: {  	s1 =	rddreg [dreg:$0x1];
	p0 =	sne.s32 s2, $0x0  }
0x27b: {  	s3 =	rddreg [dreg:$0x2];
	[bflag:$0x3] =	sbarrier.arrive $0xFFFF;
	s2 =	simm.s32 @!p0 $0x1C0D  }
0x27c: {  	[timem:s3], [sflag:s2] =	dma.local @!p0 [hbm:s0], s1  }
0x27d: {  	s0 =	simm.s32 @!p0 $0xD  }
0x27e: {  	_ =	swait.ge @!p0 [sflag:s0], s1  }
0x27f: {  	s1 =	ssub.s32 @!p0 $0x0, s1;
	[sflag:s0] =	ssyncset.done @!p0 $0x0  }
0x280: {  	[sflag:s0] =	ssyncadd.s32 @!p0 s1  }
0x281: {  	[bflag:$0x3] =	sbarrier.arrive $0xFFFF  }
0x282: {  	_ =	shalt  }

</sc_bundles>
